<compile_context>
chip_gen: v7x
topology: tpu7x:2x2x1
jax: 0.10.2.dev20260603
libtpu: 0.0.44.dev20260713+nightly
codegen_flags: <defaults>
</compile_context>

<pallas_src>
import functools

import jax
import jax.numpy as jnp
from jax import lax
from jax.experimental import pallas as pl
from jax.experimental.pallas import tpu as pltpu
from jax.experimental.pallas import tpu_sc as plsc

BATCH_N = 16384
DIM = 128

_info = plsc.get_sparse_core_info()
_NC = _info.num_cores
_NS = _info.num_subcores
_NW = _NC * _NS
_BPW = BATCH_N // _NW
_CHUNK = 128
_NCH = _BPW // _CHUNK
_HALF = _CHUNK // 2

_mesh = plsc.VectorSubcoreMesh(core_axis_name="c", subcore_axis_name="s")

_SCHED0 = [(0, 0, _HALF, 0), (0, _HALF, _HALF, _HALF),
           (1, 0, _CHUNK, _CHUNK), (2, 0, _CHUNK, 2 * _CHUNK),
           (3, 0, _CHUNK, 3 * _CHUNK)]
_SCHED1 = [(0, 0, _CHUNK, 0), (1, 0, _CHUNK, _CHUNK),
           (2, 0, _CHUNK, 2 * _CHUNK),
           (3, 0, _HALF, 3 * _CHUNK), (3, _HALF, _HALF, 3 * _CHUNK + _HALF)]


@functools.partial(
    pl.kernel,
    out_type=(
        jax.ShapeDtypeStruct((BATCH_N, DIM), jnp.float32),
        jax.ShapeDtypeStruct((BATCH_N, DIM), jnp.float32),
    ),
    mesh=_mesh,
    scratch_types=[
        pltpu.VMEM((_NCH, _CHUNK), jnp.int32),
        pltpu.VMEM((4, _CHUNK, DIM), jnp.float32),
        pltpu.SemaphoreType.DMA,
        pltpu.SemaphoreType.DMA,
        pltpu.SemaphoreType.DMA,
        pltpu.SemaphoreType.DMA,
        pltpu.SemaphoreType.DMA,
        pltpu.SemaphoreType.DMA,
        pltpu.SemaphoreType.DMA,
        pltpu.SemaphoreType.DMA,
    ],
)
def _dual_gather(ids_hbm, shape_hbm, tex_hbm, out_s, out_t,
                 idx_v, bufs_v,
                 gi0, gi1, gi2, gi3, go0, go1, go2, go3):
    _NBUF = 4
    wid = lax.axis_index("s") * _NC + lax.axis_index("c")
    base = wid * _BPW
    pltpu.sync_copy(ids_hbm.at[pl.ds(wid * _NCH, _NCH)], idx_v)

    sem_in = (gi0, gi1, gi2, gi3)
    sem_out = (go0, go1, go2, go3)
    jobs = ([(out_s, c) for c in _SCHED0] + [(out_t, c) for c in _SCHED1])
    tabs = [shape_hbm] * len(_SCHED0) + [tex_hbm] * len(_SCHED1)
    njobs = len(jobs)

    in_h = [None] * _NBUF
    out_h = [None] * _NBUF

    def drain(k):
        bk = k % _NBUF
        out_ref, (_, _, n, off) = jobs[k]
        in_h[bk].wait()
        out_h[bk] = pltpu.async_copy(
            bufs_v.at[bk, pl.ds(0, n)],
            out_ref.at[pl.ds(base + off, n)],
            sem_out[bk])

    for i in range(njobs):
        b = i % _NBUF
        _, (row, lo, n, _) = jobs[i]
        if out_h[b] is not None:
            out_h[b].wait()
            out_h[b] = None
        in_h[b] = pltpu.async_copy(
            tabs[i].at[idx_v.at[row, pl.ds(lo, n)]],
            bufs_v.at[b, pl.ds(0, n)], sem_in[b])
        k = i - (_NBUF - 1)
        if k >= 0:
            drain(k)
    for k in range(max(0, njobs - (_NBUF - 1)), njobs):
        drain(k)
    for b in range(_NBUF):
        if out_h[b] is not None:
            out_h[b].wait()


def kernel(object_ids, shape_code, texture_code):
    ids2d = object_ids.astype(jnp.int32).reshape(_NW * _NCH, _CHUNK)
    return _dual_gather(ids2d, shape_code, texture_code)

# --- scband reference (transcript-rebuilt; emitter-appended) ---
"""Pipeline reference for scband-shape-texturecode-59399397703888 (READ-ONLY COPY).

The authoritative reference and input builder live on the scoring server;
editing this copy changes nothing except your own understanding.
"""

import jax, jax.numpy as jnp
import numpy as np

NUM_CODES = 100000
CODE_SIZE = 128
BATCH = 16384

def setup_inputs(seed: int = 0) -> dict:
    key = jax.random.key(seed)
    k1, k2, k3 = jax.random.split(key, 3)
    object_ids = jax.random.randint(k1, (BATCH,), 0, NUM_CODES, dtype=jnp.int64 if jax.config.jax_enable_x64 else jnp.int32)
    shape_code = jax.random.normal(k2, (NUM_CODES, CODE_SIZE), dtype=jnp.float32)
    texture_code = jax.random.normal(k3, (NUM_CODES, CODE_SIZE), dtype=jnp.float32)
    return {"object_ids": object_ids, "shape_code": shape_code, "texture_code": texture_code}

def reference(object_ids, shape_code, texture_code):
    # z_s = self.shape_code(object_ids); z_t = self.texture_code(object_ids)
    z_s = jnp.take(shape_code, object_ids, axis=0)
    z_t = jnp.take(texture_code, object_ids, axis=0)
    return (z_s, z_t)

if __name__ == "__main__":
    import jax
    _d = setup_inputs()
    print(jax.jit(kernel)(*tuple(_d.values())))

</pallas_src>

<mosaic_0001>
#map = affine_map<(d0, d1) -> (0, 0)>
module attributes {stable_mosaic.version = 14 : i64} {
  func.func @_dual_gather(%arg0: i32, %arg1: i32, %arg2: memref<128x128xi32, #tpu.memory_space<hbm>>, %arg3: memref<100000x128xf32, #tpu.memory_space<hbm>>, %arg4: memref<100000x128xf32, #tpu.memory_space<hbm>>, %arg5: memref<16384x128xf32, #tpu.memory_space<hbm>>, %arg6: memref<16384x128xf32, #tpu.memory_space<hbm>>, %arg7: memref<4x128xi32, #tpu.memory_space<vmem>>, %arg8: memref<4x128x128xf32, #tpu.memory_space<vmem>>, %arg9: memref<!tpu.dma_semaphore, #tpu.memory_space<semaphore_mem>>, %arg10: memref<!tpu.dma_semaphore, #tpu.memory_space<semaphore_mem>>, %arg11: memref<!tpu.dma_semaphore, #tpu.memory_space<semaphore_mem>>, %arg12: memref<!tpu.dma_semaphore, #tpu.memory_space<semaphore_mem>>, %arg13: memref<!tpu.dma_semaphore, #tpu.memory_space<semaphore_mem>>, %arg14: memref<!tpu.dma_semaphore, #tpu.memory_space<semaphore_mem>>, %arg15: memref<!tpu.dma_semaphore, #tpu.memory_space<semaphore_mem>>, %arg16: memref<!tpu.dma_semaphore, #tpu.memory_space<semaphore_mem>>) attributes {dimension_semantics = [#tpu.dimension_semantics<core_parallel>, #tpu.dimension_semantics<subcore_parallel>], iteration_bounds = array<i64: 2, 16>, scalar_prefetch = 0 : i64, scratch_operands = 10 : i64, tpu.core_type = #tpu.core_type<sc_vector_subcore>, window_params = [{transform_indices = #map}, {transform_indices = #map}, {transform_indices = #map}, {transform_indices = #map}, {transform_indices = #map}]} {
    %mul3A = arith.constant 2 : i32
    %mul3A_0 = arith.muli %arg1, %mul3A : i32
    %add3A = arith.addi %mul3A_0, %arg0 : i32
    %mul3A_1 = arith.constant 512 : i32
    %mul3A_2 = arith.muli %add3A, %mul3A_1 : i32
    %mul3A_3 = arith.constant 4 : i32
    %mul3A_4 = arith.muli %add3A, %mul3A_3 : i32
    "tpu.region"() ({
      %run_scoped3A = tpu.sem_alloc : memref<!tpu.dma_semaphore, #tpu.memory_space<semaphore_mem>>
      %dma_start3A_523 = arith.constant 0 : i32
      %dma_start3A_524 = tpu.memref_slice %arg2[%mul3A_4, %dma_start3A_523] : memref<128x128xi32, #tpu.memory_space<hbm>> -> memref<4x128xi32, #tpu.memory_space<hbm>>
      %dma_start3A_525 = arith.constant 0 : i32
      %dma_start3A_526 = tpu.memref_slice %arg2[%mul3A_4, %dma_start3A_525] : memref<128x128xi32, #tpu.memory_space<hbm>> -> memref<4x128xi32, #tpu.memory_space<hbm>>
      tpu.enqueue_dma source(%dma_start3A_526 : memref<4x128xi32, #tpu.memory_space<hbm>>) target(%arg7 : memref<4x128xi32, #tpu.memory_space<vmem>>) target_semaphore(%run_scoped3A : memref<!tpu.dma_semaphore, #tpu.memory_space<semaphore_mem>>)
      %dma_wait3A_527 = arith.constant 0 : i32
      %dma_wait3A_528 = tpu.memref_slice %arg2[%mul3A_4, %dma_wait3A_527] : memref<128x128xi32, #tpu.memory_space<hbm>> -> memref<4x128xi32, #tpu.memory_space<hbm>>
      %dma_wait3A_529 = arith.constant 0 : i32
      %dma_wait3A_530 = tpu.memref_slice %arg2[%mul3A_4, %dma_wait3A_529] : memref<128x128xi32, #tpu.memory_space<hbm>> -> memref<4x128xi32, #tpu.memory_space<hbm>>
      tpu.wait_dma2 semaphore(%run_scoped3A : memref<!tpu.dma_semaphore, #tpu.memory_space<semaphore_mem>>) src(%dma_wait3A_530 : memref<4x128xi32, #tpu.memory_space<hbm>>) dst(%arg7 : memref<4x128xi32, #tpu.memory_space<vmem>>)
      tpu.yield
    }) : () -> ()
    %dma_start3A = arith.constant 0 : i32
    %dma_start3A_5 = arith.constant 0 : i32
    %dma_start3A_6 = arith.constant 0 : i32
    %dma_start3A_7 = arith.constant 0 : i32
    %dma_start3A_8 = tpu.memref_slice %arg8[%dma_start3A_5, %dma_start3A_6, %dma_start3A_7] : memref<4x128x128xf32, #tpu.memory_space<vmem>> -> memref<1x64x128xf32, #tpu.memory_space<vmem>>
    %dma_start3A_9 = tpu.memref_squeeze %dma_start3A_8 : memref<1x64x128xf32, #tpu.memory_space<vmem>> -> memref<64x128xf32, #tpu.memory_space<vmem>>
    %dma_start3A_10 = arith.constant 0 : i32
    %dma_start3A_11 = tpu.memref_slice %arg7[%dma_start3A, %dma_start3A_10] : memref<4x128xi32, #tpu.memory_space<vmem>> -> memref<1x64xi32, #tpu.memory_space<vmem>>
    %dma_start3A_12 = tpu.memref_squeeze %dma_start3A_11 : memref<1x64xi32, #tpu.memory_space<vmem>> -> memref<64xi32, #tpu.memory_space<vmem>>
    %dma_start3A_13 = arith.constant 0 : i32
    %dma_start3A_14 = arith.constant 0 : i32
    %dma_start3A_15 = tpu.memref_slice %arg3[%dma_start3A_13, %dma_start3A_14] : memref<100000x128xf32, #tpu.memory_space<hbm>> -> memref<100000x128xf32, #tpu.memory_space<hbm>>
    tpu.enqueue_indirect_dma source(%dma_start3A_15 : memref<100000x128xf32, #tpu.memory_space<hbm>>) target(%dma_start3A_9 : memref<64x128xf32, #tpu.memory_space<vmem>>) offsets(%dma_start3A_12 : memref<64xi32, #tpu.memory_space<vmem>>) semaphore(%arg9 : memref<!tpu.dma_semaphore, #tpu.memory_space<semaphore_mem>>)
    %dma_start3A_16 = arith.constant 0 : i32
    %dma_start3A_17 = arith.constant 1 : i32
    %dma_start3A_18 = arith.constant 0 : i32
    %dma_start3A_19 = arith.constant 0 : i32
    %dma_start3A_20 = tpu.memref_slice %arg8[%dma_start3A_17, %dma_start3A_18, %dma_start3A_19] : memref<4x128x128xf32, #tpu.memory_space<vmem>> -> memref<1x64x128xf32, #tpu.memory_space<vmem>>
    %dma_start3A_21 = tpu.memref_squeeze %dma_start3A_20 : memref<1x64x128xf32, #tpu.memory_space<vmem>> -> memref<64x128xf32, #tpu.memory_space<vmem>>
    %dma_start3A_22 = arith.constant 64 : i32
    %dma_start3A_23 = tpu.memref_slice %arg7[%dma_start3A_16, %dma_start3A_22] : memref<4x128xi32, #tpu.memory_space<vmem>> -> memref<1x64xi32, #tpu.memory_space<vmem>>
    %dma_start3A_24 = tpu.memref_squeeze %dma_start3A_23 : memref<1x64xi32, #tpu.memory_space<vmem>> -> memref<64xi32, #tpu.memory_space<vmem>>
    %dma_start3A_25 = arith.constant 0 : i32
    %dma_start3A_26 = arith.constant 0 : i32
    %dma_start3A_27 = tpu.memref_slice %arg3[%dma_start3A_25, %dma_start3A_26] : memref<100000x128xf32, #tpu.memory_space<hbm>> -> memref<100000x128xf32, #tpu.memory_space<hbm>>
    tpu.enqueue_indirect_dma source(%dma_start3A_27 : memref<100000x128xf32, #tpu.memory_space<hbm>>) target(%dma_start3A_21 : memref<64x128xf32, #tpu.memory_space<vmem>>) offsets(%dma_start3A_24 : memref<64xi32, #tpu.memory_space<vmem>>) semaphore(%arg10 : memref<!tpu.dma_semaphore, #tpu.memory_space<semaphore_mem>>)
    %dma_start3A_28 = arith.constant 1 : i32
    %dma_start3A_29 = arith.constant 2 : i32
    %dma_start3A_30 = arith.constant 0 : i32
    %dma_start3A_31 = arith.constant 0 : i32
    %dma_start3A_32 = tpu.memref_slice %arg8[%dma_start3A_29, %dma_start3A_30, %dma_start3A_31] : memref<4x128x128xf32, #tpu.memory_space<vmem>> -> memref<1x128x128xf32, #tpu.memory_space<vmem>>
    %dma_start3A_33 = tpu.memref_squeeze %dma_start3A_32 : memref<1x128x128xf32, #tpu.memory_space<vmem>> -> memref<128x128xf32, #tpu.memory_space<vmem>>
    %dma_start3A_34 = arith.constant 0 : i32
    %dma_start3A_35 = tpu.memref_slice %arg7[%dma_start3A_28, %dma_start3A_34] : memref<4x128xi32, #tpu.memory_space<vmem>> -> memref<1x128xi32, #tpu.memory_space<vmem>>
    %dma_start3A_36 = tpu.memref_squeeze %dma_start3A_35 : memref<1x128xi32, #tpu.memory_space<vmem>> -> memref<128xi32, #tpu.memory_space<vmem>>
    %dma_start3A_37 = arith.constant 0 : i32
    %dma_start3A_38 = arith.constant 0 : i32
    %dma_start3A_39 = tpu.memref_slice %arg3[%dma_start3A_37, %dma_start3A_38] : memref<100000x128xf32, #tpu.memory_space<hbm>> -> memref<100000x128xf32, #tpu.memory_space<hbm>>
    tpu.enqueue_indirect_dma source(%dma_start3A_39 : memref<100000x128xf32, #tpu.memory_space<hbm>>) target(%dma_start3A_33 : memref<128x128xf32, #tpu.memory_space<vmem>>) offsets(%dma_start3A_36 : memref<128xi32, #tpu.memory_space<vmem>>) semaphore(%arg11 : memref<!tpu.dma_semaphore, #tpu.memory_space<semaphore_mem>>)
    %dma_start3A_40 = arith.constant 2 : i32
    %dma_start3A_41 = arith.constant 3 : i32
    %dma_start3A_42 = arith.constant 0 : i32
    %dma_start3A_43 = arith.constant 0 : i32
    %dma_start3A_44 = tpu.memref_slice %arg8[%dma_start3A_41, %dma_start3A_42, %dma_start3A_43] : memref<4x128x128xf32, #tpu.memory_space<vmem>> -> memref<1x128x128xf32, #tpu.memory_space<vmem>>
    %dma_start3A_45 = tpu.memref_squeeze %dma_start3A_44 : memref<1x128x128xf32, #tpu.memory_space<vmem>> -> memref<128x128xf32, #tpu.memory_space<vmem>>
    %dma_start3A_46 = arith.constant 0 : i32
    %dma_start3A_47 = tpu.memref_slice %arg7[%dma_start3A_40, %dma_start3A_46] : memref<4x128xi32, #tpu.memory_space<vmem>> -> memref<1x128xi32, #tpu.memory_space<vmem>>
    %dma_start3A_48 = tpu.memref_squeeze %dma_start3A_47 : memref<1x128xi32, #tpu.memory_space<vmem>> -> memref<128xi32, #tpu.memory_space<vmem>>
    %dma_start3A_49 = arith.constant 0 : i32
    %dma_start3A_50 = arith.constant 0 : i32
    %dma_start3A_51 = tpu.memref_slice %arg3[%dma_start3A_49, %dma_start3A_50] : memref<100000x128xf32, #tpu.memory_space<hbm>> -> memref<100000x128xf32, #tpu.memory_space<hbm>>
    tpu.enqueue_indirect_dma source(%dma_start3A_51 : memref<100000x128xf32, #tpu.memory_space<hbm>>) target(%dma_start3A_45 : memref<128x128xf32, #tpu.memory_space<vmem>>) offsets(%dma_start3A_48 : memref<128xi32, #tpu.memory_space<vmem>>) semaphore(%arg12 : memref<!tpu.dma_semaphore, #tpu.memory_space<semaphore_mem>>)
    %dma_wait3A = arith.constant 0 : i32
    %dma_wait3A_52 = arith.constant 0 : i32
    %dma_wait3A_53 = arith.constant 0 : i32
    %dma_wait3A_54 = arith.constant 0 : i32
    %dma_wait3A_55 = tpu.memref_slice %arg8[%dma_wait3A_52, %dma_wait3A_53, %dma_wait3A_54] : memref<4x128x128xf32, #tpu.memory_space<vmem>> -> memref<1x64x128xf32, #tpu.memory_space<vmem>>
    %dma_wait3A_56 = tpu.memref_squeeze %dma_wait3A_55 : memref<1x64x128xf32, #tpu.memory_space<vmem>> -> memref<64x128xf32, #tpu.memory_space<vmem>>
    %dma_wait3A_57 = arith.constant 0 : i32
    %dma_wait3A_58 = tpu.memref_slice %arg7[%dma_wait3A, %dma_wait3A_57] : memref<4x128xi32, #tpu.memory_space<vmem>> -> memref<1x64xi32, #tpu.memory_space<vmem>>
    %dma_wait3A_59 = tpu.memref_squeeze %dma_wait3A_58 : memref<1x64xi32, #tpu.memory_space<vmem>> -> memref<64xi32, #tpu.memory_space<vmem>>
    %dma_wait3A_60 = arith.constant 0 : i32
    %dma_wait3A_61 = arith.constant 0 : i32
    %dma_wait3A_62 = tpu.memref_slice %arg3[%dma_wait3A_60, %dma_wait3A_61] : memref<100000x128xf32, #tpu.memory_space<hbm>> -> memref<100000x128xf32, #tpu.memory_space<hbm>>
    tpu.wait_indirect_dma semaphore(%arg9 : memref<!tpu.dma_semaphore, #tpu.memory_space<semaphore_mem>>) src(%dma_wait3A_62 : memref<100000x128xf32, #tpu.memory_space<hbm>>) dst(%dma_wait3A_56 : memref<64x128xf32, #tpu.memory_space<vmem>>)
    %add3A_63 = arith.constant 0 : i32
    %add3A_64 = arith.addi %mul3A_2, %add3A_63 : i32
    %dma_start3A_65 = arith.constant 0 : i32
    %dma_start3A_66 = arith.constant 0 : i32
    %dma_start3A_67 = arith.constant 0 : i32
    %dma_start3A_68 = tpu.memref_slice %arg8[%dma_start3A_65, %dma_start3A_66, %dma_start3A_67] : memref<4x128x128xf32, #tpu.memory_space<vmem>> -> memref<1x64x128xf32, #tpu.memory_space<vmem>>
    %dma_start3A_69 = tpu.memref_squeeze %dma_start3A_68 : memref<1x64x128xf32, #tpu.memory_space<vmem>> -> memref<64x128xf32, #tpu.memory_space<vmem>>
    %dma_start3A_70 = arith.constant 0 : i32
    %dma_start3A_71 = tpu.memref_slice %arg5[%add3A_64, %dma_start3A_70] : memref<16384x128xf32, #tpu.memory_space<hbm>> -> memref<64x128xf32, #tpu.memory_space<hbm>>
    %dma_start3A_72 = arith.constant 0 : i32
    %dma_start3A_73 = tpu.memref_slice %arg5[%add3A_64, %dma_start3A_72] : memref<16384x128xf32, #tpu.memory_space<hbm>> -> memref<64x128xf32, #tpu.memory_space<hbm>>
    %dma_start3A_74 = arith.constant 0 : i32
    %dma_start3A_75 = arith.constant 0 : i32
    %dma_start3A_76 = tpu.memref_slice %arg8[%dma_start3A_65, %dma_start3A_74, %dma_start3A_75] : memref<4x128x128xf32, #tpu.memory_space<vmem>> -> memref<1x64x128xf32, #tpu.memory_space<vmem>>
    %dma_start3A_77 = tpu.memref_squeeze %dma_start3A_76 : memref<1x64x128xf32, #tpu.memory_space<vmem>> -> memref<64x128xf32, #tpu.memory_space<vmem>>
    tpu.enqueue_dma source(%dma_start3A_77 : memref<64x128xf32, #tpu.memory_space<vmem>>) target(%dma_start3A_73 : memref<64x128xf32, #tpu.memory_space<hbm>>) target_semaphore(%arg13 : memref<!tpu.dma_semaphore, #tpu.memory_space<semaphore_mem>>)
    %dma_wait3A_78 = arith.constant 0 : i32
    %dma_wait3A_79 = arith.constant 0 : i32
    %dma_wait3A_80 = arith.constant 0 : i32
    %dma_wait3A_81 = tpu.memref_slice %arg8[%dma_wait3A_78, %dma_wait3A_79, %dma_wait3A_80] : memref<4x128x128xf32, #tpu.memory_space<vmem>> -> memref<1x64x128xf32, #tpu.memory_space<vmem>>
    %dma_wait3A_82 = tpu.memref_squeeze %dma_wait3A_81 : memref<1x64x128xf32, #tpu.memory_space<vmem>> -> memref<64x128xf32, #tpu.memory_space<vmem>>
    %dma_wait3A_83 = arith.constant 0 : i32
    %dma_wait3A_84 = tpu.memref_slice %arg5[%add3A_64, %dma_wait3A_83] : memref<16384x128xf32, #tpu.memory_space<hbm>> -> memref<64x128xf32, #tpu.memory_space<hbm>>
    %dma_wait3A_85 = arith.constant 0 : i32
    %dma_wait3A_86 = tpu.memref_slice %arg5[%add3A_64, %dma_wait3A_85] : memref<16384x128xf32, #tpu.memory_space<hbm>> -> memref<64x128xf32, #tpu.memory_space<hbm>>
    %dma_wait3A_87 = arith.constant 0 : i32
    %dma_wait3A_88 = arith.constant 0 : i32
    %dma_wait3A_89 = tpu.memref_slice %arg8[%dma_wait3A_78, %dma_wait3A_87, %dma_wait3A_88] : memref<4x128x128xf32, #tpu.memory_space<vmem>> -> memref<1x64x128xf32, #tpu.memory_space<vmem>>
    %dma_wait3A_90 = tpu.memref_squeeze %dma_wait3A_89 : memref<1x64x128xf32, #tpu.memory_space<vmem>> -> memref<64x128xf32, #tpu.memory_space<vmem>>
    tpu.wait_dma2 semaphore(%arg13 : memref<!tpu.dma_semaphore, #tpu.memory_space<semaphore_mem>>) src(%dma_wait3A_90 : memref<64x128xf32, #tpu.memory_space<vmem>>) dst(%dma_wait3A_86 : memref<64x128xf32, #tpu.memory_space<hbm>>)
    %dma_start3A_91 = arith.constant 3 : i32
    %dma_start3A_92 = arith.constant 0 : i32
    %dma_start3A_93 = arith.constant 0 : i32
    %dma_start3A_94 = arith.constant 0 : i32
    %dma_start3A_95 = tpu.memref_slice %arg8[%dma_start3A_92, %dma_start3A_93, %dma_start3A_94] : memref<4x128x128xf32, #tpu.memory_space<vmem>> -> memref<1x128x128xf32, #tpu.memory_space<vmem>>
    %dma_start3A_96 = tpu.memref_squeeze %dma_start3A_95 : memref<1x128x128xf32, #tpu.memory_space<vmem>> -> memref<128x128xf32, #tpu.memory_space<vmem>>
    %dma_start3A_97 = arith.constant 0 : i32
    %dma_start3A_98 = tpu.memref_slice %arg7[%dma_start3A_91, %dma_start3A_97] : memref<4x128xi32, #tpu.memory_space<vmem>> -> memref<1x128xi32, #tpu.memory_space<vmem>>
    %dma_start3A_99 = tpu.memref_squeeze %dma_start3A_98 : memref<1x128xi32, #tpu.memory_space<vmem>> -> memref<128xi32, #tpu.memory_space<vmem>>
    %dma_start3A_100 = arith.constant 0 : i32
    %dma_start3A_101 = arith.constant 0 : i32
    %dma_start3A_102 = tpu.memref_slice %arg3[%dma_start3A_100, %dma_start3A_101] : memref<100000x128xf32, #tpu.memory_space<hbm>> -> memref<100000x128xf32, #tpu.memory_space<hbm>>
    tpu.enqueue_indirect_dma source(%dma_start3A_102 : memref<100000x128xf32, #tpu.memory_space<hbm>>) target(%dma_start3A_96 : memref<128x128xf32, #tpu.memory_space<vmem>>) offsets(%dma_start3A_99 : memref<128xi32, #tpu.memory_space<vmem>>) semaphore(%arg9 : memref<!tpu.dma_semaphore, #tpu.memory_space<semaphore_mem>>)
    %dma_wait3A_103 = arith.constant 0 : i32
    %dma_wait3A_104 = arith.constant 1 : i32
    %dma_wait3A_105 = arith.constant 0 : i32
    %dma_wait3A_106 = arith.constant 0 : i32
    %dma_wait3A_107 = tpu.memref_slice %arg8[%dma_wait3A_104, %dma_wait3A_105, %dma_wait3A_106] : memref<4x128x128xf32, #tpu.memory_space<vmem>> -> memref<1x64x128xf32, #tpu.memory_space<vmem>>
    %dma_wait3A_108 = tpu.memref_squeeze %dma_wait3A_107 : memref<1x64x128xf32, #tpu.memory_space<vmem>> -> memref<64x128xf32, #tpu.memory_space<vmem>>
    %dma_wait3A_109 = arith.constant 64 : i32
    %dma_wait3A_110 = tpu.memref_slice %arg7[%dma_wait3A_103, %dma_wait3A_109] : memref<4x128xi32, #tpu.memory_space<vmem>> -> memref<1x64xi32, #tpu.memory_space<vmem>>
    %dma_wait3A_111 = tpu.memref_squeeze %dma_wait3A_110 : memref<1x64xi32, #tpu.memory_space<vmem>> -> memref<64xi32, #tpu.memory_space<vmem>>
    %dma_wait3A_112 = arith.constant 0 : i32
    %dma_wait3A_113 = arith.constant 0 : i32
    %dma_wait3A_114 = tpu.memref_slice %arg3[%dma_wait3A_112, %dma_wait3A_113] : memref<100000x128xf32, #tpu.memory_space<hbm>> -> memref<100000x128xf32, #tpu.memory_space<hbm>>
    tpu.wait_indirect_dma semaphore(%arg10 : memref<!tpu.dma_semaphore, #tpu.memory_space<semaphore_mem>>) src(%dma_wait3A_114 : memref<100000x128xf32, #tpu.memory_space<hbm>>) dst(%dma_wait3A_108 : memref<64x128xf32, #tpu.memory_space<vmem>>)
    %add3A_115 = arith.constant 64 : i32
    %add3A_116 = arith.addi %mul3A_2, %add3A_115 : i32
    %dma_start3A_117 = arith.constant 1 : i32
    %dma_start3A_118 = arith.constant 0 : i32
    %dma_start3A_119 = arith.constant 0 : i32
    %dma_start3A_120 = tpu.memref_slice %arg8[%dma_start3A_117, %dma_start3A_118, %dma_start3A_119] : memref<4x128x128xf32, #tpu.memory_space<vmem>> -> memref<1x64x128xf32, #tpu.memory_space<vmem>>
    %dma_start3A_121 = tpu.memref_squeeze %dma_start3A_120 : memref<1x64x128xf32, #tpu.memory_space<vmem>> -> memref<64x128xf32, #tpu.memory_space<vmem>>
    %dma_start3A_122 = arith.constant 0 : i32
    %dma_start3A_123 = tpu.memref_slice %arg5[%add3A_116, %dma_start3A_122] : memref<16384x128xf32, #tpu.memory_space<hbm>> -> memref<64x128xf32, #tpu.memory_space<hbm>>
    %dma_start3A_124 = arith.constant 0 : i32
    %dma_start3A_125 = tpu.memref_slice %arg5[%add3A_116, %dma_start3A_124] : memref<16384x128xf32, #tpu.memory_space<hbm>> -> memref<64x128xf32, #tpu.memory_space<hbm>>
    %dma_start3A_126 = arith.constant 0 : i32
    %dma_start3A_127 = arith.constant 0 : i32
    %dma_start3A_128 = tpu.memref_slice %arg8[%dma_start3A_117, %dma_start3A_126, %dma_start3A_127] : memref<4x128x128xf32, #tpu.memory_space<vmem>> -> memref<1x64x128xf32, #tpu.memory_space<vmem>>
    %dma_start3A_129 = tpu.memref_squeeze %dma_start3A_128 : memref<1x64x128xf32, #tpu.memory_space<vmem>> -> memref<64x128xf32, #tpu.memory_space<vmem>>
    tpu.enqueue_dma source(%dma_start3A_129 : memref<64x128xf32, #tpu.memory_space<vmem>>) target(%dma_start3A_125 : memref<64x128xf32, #tpu.memory_space<hbm>>) target_semaphore(%arg14 : memref<!tpu.dma_semaphore, #tpu.memory_space<semaphore_mem>>)
    %dma_wait3A_130 = arith.constant 1 : i32
    %dma_wait3A_131 = arith.constant 0 : i32
    %dma_wait3A_132 = arith.constant 0 : i32
    %dma_wait3A_133 = tpu.memref_slice %arg8[%dma_wait3A_130, %dma_wait3A_131, %dma_wait3A_132] : memref<4x128x128xf32, #tpu.memory_space<vmem>> -> memref<1x64x128xf32, #tpu.memory_space<vmem>>
    %dma_wait3A_134 = tpu.memref_squeeze %dma_wait3A_133 : memref<1x64x128xf32, #tpu.memory_space<vmem>> -> memref<64x128xf32, #tpu.memory_space<vmem>>
    %dma_wait3A_135 = arith.constant 0 : i32
    %dma_wait3A_136 = tpu.memref_slice %arg5[%add3A_116, %dma_wait3A_135] : memref<16384x128xf32, #tpu.memory_space<hbm>> -> memref<64x128xf32, #tpu.memory_space<hbm>>
    %dma_wait3A_137 = arith.constant 0 : i32
    %dma_wait3A_138 = tpu.memref_slice %arg5[%add3A_116, %dma_wait3A_137] : memref<16384x128xf32, #tpu.memory_space<hbm>> -> memref<64x128xf32, #tpu.memory_space<hbm>>
    %dma_wait3A_139 = arith.constant 0 : i32
    %dma_wait3A_140 = arith.constant 0 : i32
    %dma_wait3A_141 = tpu.memref_slice %arg8[%dma_wait3A_130, %dma_wait3A_139, %dma_wait3A_140] : memref<4x128x128xf32, #tpu.memory_space<vmem>> -> memref<1x64x128xf32, #tpu.memory_space<vmem>>
    %dma_wait3A_142 = tpu.memref_squeeze %dma_wait3A_141 : memref<1x64x128xf32, #tpu.memory_space<vmem>> -> memref<64x128xf32, #tpu.memory_space<vmem>>
    tpu.wait_dma2 semaphore(%arg14 : memref<!tpu.dma_semaphore, #tpu.memory_space<semaphore_mem>>) src(%dma_wait3A_142 : memref<64x128xf32, #tpu.memory_space<vmem>>) dst(%dma_wait3A_138 : memref<64x128xf32, #tpu.memory_space<hbm>>)
    %dma_start3A_143 = arith.constant 0 : i32
    %dma_start3A_144 = arith.constant 1 : i32
    %dma_start3A_145 = arith.constant 0 : i32
    %dma_start3A_146 = arith.constant 0 : i32
    %dma_start3A_147 = tpu.memref_slice %arg8[%dma_start3A_144, %dma_start3A_145, %dma_start3A_146] : memref<4x128x128xf32, #tpu.memory_space<vmem>> -> memref<1x128x128xf32, #tpu.memory_space<vmem>>
    %dma_start3A_148 = tpu.memref_squeeze %dma_start3A_147 : memref<1x128x128xf32, #tpu.memory_space<vmem>> -> memref<128x128xf32, #tpu.memory_space<vmem>>
    %dma_start3A_149 = arith.constant 0 : i32
    %dma_start3A_150 = tpu.memref_slice %arg7[%dma_start3A_143, %dma_start3A_149] : memref<4x128xi32, #tpu.memory_space<vmem>> -> memref<1x128xi32, #tpu.memory_space<vmem>>
    %dma_start3A_151 = tpu.memref_squeeze %dma_start3A_150 : memref<1x128xi32, #tpu.memory_space<vmem>> -> memref<128xi32, #tpu.memory_space<vmem>>
    %dma_start3A_152 = arith.constant 0 : i32
    %dma_start3A_153 = arith.constant 0 : i32
    %dma_start3A_154 = tpu.memref_slice %arg4[%dma_start3A_152, %dma_start3A_153] : memref<100000x128xf32, #tpu.memory_space<hbm>> -> memref<100000x128xf32, #tpu.memory_space<hbm>>
    tpu.enqueue_indirect_dma source(%dma_start3A_154 : memref<100000x128xf32, #tpu.memory_space<hbm>>) target(%dma_start3A_148 : memref<128x128xf32, #tpu.memory_space<vmem>>) offsets(%dma_start3A_151 : memref<128xi32, #tpu.memory_space<vmem>>) semaphore(%arg10 : memref<!tpu.dma_semaphore, #tpu.memory_space<semaphore_mem>>)
    %dma_wait3A_155 = arith.constant 1 : i32
    %dma_wait3A_156 = arith.constant 2 : i32
    %dma_wait3A_157 = arith.constant 0 : i32
    %dma_wait3A_158 = arith.constant 0 : i32
    %dma_wait3A_159 = tpu.memref_slice %arg8[%dma_wait3A_156, %dma_wait3A_157, %dma_wait3A_158] : memref<4x128x128xf32, #tpu.memory_space<vmem>> -> memref<1x128x128xf32, #tpu.memory_space<vmem>>
    %dma_wait3A_160 = tpu.memref_squeeze %dma_wait3A_159 : memref<1x128x128xf32, #tpu.memory_space<vmem>> -> memref<128x128xf32, #tpu.memory_space<vmem>>
    %dma_wait3A_161 = arith.constant 0 : i32
    %dma_wait3A_162 = tpu.memref_slice %arg7[%dma_wait3A_155, %dma_wait3A_161] : memref<4x128xi32, #tpu.memory_space<vmem>> -> memref<1x128xi32, #tpu.memory_space<vmem>>
    %dma_wait3A_163 = tpu.memref_squeeze %dma_wait3A_162 : memref<1x128xi32, #tpu.memory_space<vmem>> -> memref<128xi32, #tpu.memory_space<vmem>>
    %dma_wait3A_164 = arith.constant 0 : i32
    %dma_wait3A_165 = arith.constant 0 : i32
    %dma_wait3A_166 = tpu.memref_slice %arg3[%dma_wait3A_164, %dma_wait3A_165] : memref<100000x128xf32, #tpu.memory_space<hbm>> -> memref<100000x128xf32, #tpu.memory_space<hbm>>
    tpu.wait_indirect_dma semaphore(%arg11 : memref<!tpu.dma_semaphore, #tpu.memory_space<semaphore_mem>>) src(%dma_wait3A_166 : memref<100000x128xf32, #tpu.memory_space<hbm>>) dst(%dma_wait3A_160 : memref<128x128xf32, #tpu.memory_space<vmem>>)
    %add3A_167 = arith.constant 128 : i32
    %add3A_168 = arith.addi %mul3A_2, %add3A_167 : i32
    %dma_start3A_169 = arith.constant 2 : i32
    %dma_start3A_170 = arith.constant 0 : i32
    %dma_start3A_171 = arith.constant 0 : i32
    %dma_start3A_172 = tpu.memref_slice %arg8[%dma_start3A_169, %dma_start3A_170, %dma_start3A_171] : memref<4x128x128xf32, #tpu.memory_space<vmem>> -> memref<1x128x128xf32, #tpu.memory_space<vmem>>
    %dma_start3A_173 = tpu.memref_squeeze %dma_start3A_172 : memref<1x128x128xf32, #tpu.memory_space<vmem>> -> memref<128x128xf32, #tpu.memory_space<vmem>>
    %dma_start3A_174 = arith.constant 0 : i32
    %dma_start3A_175 = tpu.memref_slice %arg5[%add3A_168, %dma_start3A_174] : memref<16384x128xf32, #tpu.memory_space<hbm>> -> memref<128x128xf32, #tpu.memory_space<hbm>>
    %dma_start3A_176 = arith.constant 0 : i32
    %dma_start3A_177 = tpu.memref_slice %arg5[%add3A_168, %dma_start3A_176] : memref<16384x128xf32, #tpu.memory_space<hbm>> -> memref<128x128xf32, #tpu.memory_space<hbm>>
    %dma_start3A_178 = arith.constant 0 : i32
    %dma_start3A_179 = arith.constant 0 : i32
    %dma_start3A_180 = tpu.memref_slice %arg8[%dma_start3A_169, %dma_start3A_178, %dma_start3A_179] : memref<4x128x128xf32, #tpu.memory_space<vmem>> -> memref<1x128x128xf32, #tpu.memory_space<vmem>>
    %dma_start3A_181 = tpu.memref_squeeze %dma_start3A_180 : memref<1x128x128xf32, #tpu.memory_space<vmem>> -> memref<128x128xf32, #tpu.memory_space<vmem>>
    tpu.enqueue_dma source(%dma_start3A_181 : memref<128x128xf32, #tpu.memory_space<vmem>>) target(%dma_start3A_177 : memref<128x128xf32, #tpu.memory_space<hbm>>) target_semaphore(%arg15 : memref<!tpu.dma_semaphore, #tpu.memory_space<semaphore_mem>>)
    %dma_wait3A_182 = arith.constant 2 : i32
    %dma_wait3A_183 = arith.constant 0 : i32
    %dma_wait3A_184 = arith.constant 0 : i32
    %dma_wait3A_185 = tpu.memref_slice %arg8[%dma_wait3A_182, %dma_wait3A_183, %dma_wait3A_184] : memref<4x128x128xf32, #tpu.memory_space<vmem>> -> memref<1x128x128xf32, #tpu.memory_space<vmem>>
    %dma_wait3A_186 = tpu.memref_squeeze %dma_wait3A_185 : memref<1x128x128xf32, #tpu.memory_space<vmem>> -> memref<128x128xf32, #tpu.memory_space<vmem>>
    %dma_wait3A_187 = arith.constant 0 : i32
    %dma_wait3A_188 = tpu.memref_slice %arg5[%add3A_168, %dma_wait3A_187] : memref<16384x128xf32, #tpu.memory_space<hbm>> -> memref<128x128xf32, #tpu.memory_space<hbm>>
    %dma_wait3A_189 = arith.constant 0 : i32
    %dma_wait3A_190 = tpu.memref_slice %arg5[%add3A_168, %dma_wait3A_189] : memref<16384x128xf32, #tpu.memory_space<hbm>> -> memref<128x128xf32, #tpu.memory_space<hbm>>
    %dma_wait3A_191 = arith.constant 0 : i32
    %dma_wait3A_192 = arith.constant 0 : i32
    %dma_wait3A_193 = tpu.memref_slice %arg8[%dma_wait3A_182, %dma_wait3A_191, %dma_wait3A_192] : memref<4x128x128xf32, #tpu.memory_space<vmem>> -> memref<1x128x128xf32, #tpu.memory_space<vmem>>
    %dma_wait3A_194 = tpu.memref_squeeze %dma_wait3A_193 : memref<1x128x128xf32, #tpu.memory_space<vmem>> -> memref<128x128xf32, #tpu.memory_space<vmem>>
    tpu.wait_dma2 semaphore(%arg15 : memref<!tpu.dma_semaphore, #tpu.memory_space<semaphore_mem>>) src(%dma_wait3A_194 : memref<128x128xf32, #tpu.memory_space<vmem>>) dst(%dma_wait3A_190 : memref<128x128xf32, #tpu.memory_space<hbm>>)
    %dma_start3A_195 = arith.constant 1 : i32
    %dma_start3A_196 = arith.constant 2 : i32
    %dma_start3A_197 = arith.constant 0 : i32
    %dma_start3A_198 = arith.constant 0 : i32
    %dma_start3A_199 = tpu.memref_slice %arg8[%dma_start3A_196, %dma_start3A_197, %dma_start3A_198] : memref<4x128x128xf32, #tpu.memory_space<vmem>> -> memref<1x128x128xf32, #tpu.memory_space<vmem>>
    %dma_start3A_200 = tpu.memref_squeeze %dma_start3A_199 : memref<1x128x128xf32, #tpu.memory_space<vmem>> -> memref<128x128xf32, #tpu.memory_space<vmem>>
    %dma_start3A_201 = arith.constant 0 : i32
    %dma_start3A_202 = tpu.memref_slice %arg7[%dma_start3A_195, %dma_start3A_201] : memref<4x128xi32, #tpu.memory_space<vmem>> -> memref<1x128xi32, #tpu.memory_space<vmem>>
    %dma_start3A_203 = tpu.memref_squeeze %dma_start3A_202 : memref<1x128xi32, #tpu.memory_space<vmem>> -> memref<128xi32, #tpu.memory_space<vmem>>
    %dma_start3A_204 = arith.constant 0 : i32
    %dma_start3A_205 = arith.constant 0 : i32
    %dma_start3A_206 = tpu.memref_slice %arg4[%dma_start3A_204, %dma_start3A_205] : memref<100000x128xf32, #tpu.memory_space<hbm>> -> memref<100000x128xf32, #tpu.memory_space<hbm>>
    tpu.enqueue_indirect_dma source(%dma_start3A_206 : memref<100000x128xf32, #tpu.memory_space<hbm>>) target(%dma_start3A_200 : memref<128x128xf32, #tpu.memory_space<vmem>>) offsets(%dma_start3A_203 : memref<128xi32, #tpu.memory_space<vmem>>) semaphore(%arg11 : memref<!tpu.dma_semaphore, #tpu.memory_space<semaphore_mem>>)
    %dma_wait3A_207 = arith.constant 2 : i32
    %dma_wait3A_208 = arith.constant 3 : i32
    %dma_wait3A_209 = arith.constant 0 : i32
    %dma_wait3A_210 = arith.constant 0 : i32
    %dma_wait3A_211 = tpu.memref_slice %arg8[%dma_wait3A_208, %dma_wait3A_209, %dma_wait3A_210] : memref<4x128x128xf32, #tpu.memory_space<vmem>> -> memref<1x128x128xf32, #tpu.memory_space<vmem>>
    %dma_wait3A_212 = tpu.memref_squeeze %dma_wait3A_211 : memref<1x128x128xf32, #tpu.memory_space<vmem>> -> memref<128x128xf32, #tpu.memory_space<vmem>>
    %dma_wait3A_213 = arith.constant 0 : i32
    %dma_wait3A_214 = tpu.memref_slice %arg7[%dma_wait3A_207, %dma_wait3A_213] : memref<4x128xi32, #tpu.memory_space<vmem>> -> memref<1x128xi32, #tpu.memory_space<vmem>>
    %dma_wait3A_215 = tpu.memref_squeeze %dma_wait3A_214 : memref<1x128xi32, #tpu.memory_space<vmem>> -> memref<128xi32, #tpu.memory_space<vmem>>
    %dma_wait3A_216 = arith.constant 0 : i32
    %dma_wait3A_217 = arith.constant 0 : i32
    %dma_wait3A_218 = tpu.memref_slice %arg3[%dma_wait3A_216, %dma_wait3A_217] : memref<100000x128xf32, #tpu.memory_space<hbm>> -> memref<100000x128xf32, #tpu.memory_space<hbm>>
    tpu.wait_indirect_dma semaphore(%arg12 : memref<!tpu.dma_semaphore, #tpu.memory_space<semaphore_mem>>) src(%dma_wait3A_218 : memref<100000x128xf32, #tpu.memory_space<hbm>>) dst(%dma_wait3A_212 : memref<128x128xf32, #tpu.memory_space<vmem>>)
    %add3A_219 = arith.constant 256 : i32
    %add3A_220 = arith.addi %mul3A_2, %add3A_219 : i32
    %dma_start3A_221 = arith.constant 3 : i32
    %dma_start3A_222 = arith.constant 0 : i32
    %dma_start3A_223 = arith.constant 0 : i32
    %dma_start3A_224 = tpu.memref_slice %arg8[%dma_start3A_221, %dma_start3A_222, %dma_start3A_223] : memref<4x128x128xf32, #tpu.memory_space<vmem>> -> memref<1x128x128xf32, #tpu.memory_space<vmem>>
    %dma_start3A_225 = tpu.memref_squeeze %dma_start3A_224 : memref<1x128x128xf32, #tpu.memory_space<vmem>> -> memref<128x128xf32, #tpu.memory_space<vmem>>
    %dma_start3A_226 = arith.constant 0 : i32
    %dma_start3A_227 = tpu.memref_slice %arg5[%add3A_220, %dma_start3A_226] : memref<16384x128xf32, #tpu.memory_space<hbm>> -> memref<128x128xf32, #tpu.memory_space<hbm>>
    %dma_start3A_228 = arith.constant 0 : i32
    %dma_start3A_229 = tpu.memref_slice %arg5[%add3A_220, %dma_start3A_228] : memref<16384x128xf32, #tpu.memory_space<hbm>> -> memref<128x128xf32, #tpu.memory_space<hbm>>
    %dma_start3A_230 = arith.constant 0 : i32
    %dma_start3A_231 = arith.constant 0 : i32
    %dma_start3A_232 = tpu.memref_slice %arg8[%dma_start3A_221, %dma_start3A_230, %dma_start3A_231] : memref<4x128x128xf32, #tpu.memory_space<vmem>> -> memref<1x128x128xf32, #tpu.memory_space<vmem>>
    %dma_start3A_233 = tpu.memref_squeeze %dma_start3A_232 : memref<1x128x128xf32, #tpu.memory_space<vmem>> -> memref<128x128xf32, #tpu.memory_space<vmem>>
    tpu.enqueue_dma source(%dma_start3A_233 : memref<128x128xf32, #tpu.memory_space<vmem>>) target(%dma_start3A_229 : memref<128x128xf32, #tpu.memory_space<hbm>>) target_semaphore(%arg16 : memref<!tpu.dma_semaphore, #tpu.memory_space<semaphore_mem>>)
    %dma_wait3A_234 = arith.constant 3 : i32
    %dma_wait3A_235 = arith.constant 0 : i32
    %dma_wait3A_236 = arith.constant 0 : i32
    %dma_wait3A_237 = tpu.memref_slice %arg8[%dma_wait3A_234, %dma_wait3A_235, %dma_wait3A_236] : memref<4x128x128xf32, #tpu.memory_space<vmem>> -> memref<1x128x128xf32, #tpu.memory_space<vmem>>
    %dma_wait3A_238 = tpu.memref_squeeze %dma_wait3A_237 : memref<1x128x128xf32, #tpu.memory_space<vmem>> -> memref<128x128xf32, #tpu.memory_space<vmem>>
    %dma_wait3A_239 = arith.constant 0 : i32
    %dma_wait3A_240 = tpu.memref_slice %arg5[%add3A_220, %dma_wait3A_239] : memref<16384x128xf32, #tpu.memory_space<hbm>> -> memref<128x128xf32, #tpu.memory_space<hbm>>
    %dma_wait3A_241 = arith.constant 0 : i32
    %dma_wait3A_242 = tpu.memref_slice %arg5[%add3A_220, %dma_wait3A_241] : memref<16384x128xf32, #tpu.memory_space<hbm>> -> memref<128x128xf32, #tpu.memory_space<hbm>>
    %dma_wait3A_243 = arith.constant 0 : i32
    %dma_wait3A_244 = arith.constant 0 : i32
    %dma_wait3A_245 = tpu.memref_slice %arg8[%dma_wait3A_234, %dma_wait3A_243, %dma_wait3A_244] : memref<4x128x128xf32, #tpu.memory_space<vmem>> -> memref<1x128x128xf32, #tpu.memory_space<vmem>>
    %dma_wait3A_246 = tpu.memref_squeeze %dma_wait3A_245 : memref<1x128x128xf32, #tpu.memory_space<vmem>> -> memref<128x128xf32, #tpu.memory_space<vmem>>
    tpu.wait_dma2 semaphore(%arg16 : memref<!tpu.dma_semaphore, #tpu.memory_space<semaphore_mem>>) src(%dma_wait3A_246 : memref<128x128xf32, #tpu.memory_space<vmem>>) dst(%dma_wait3A_242 : memref<128x128xf32, #tpu.memory_space<hbm>>)
    %dma_start3A_247 = arith.constant 2 : i32
    %dma_start3A_248 = arith.constant 3 : i32
    %dma_start3A_249 = arith.constant 0 : i32
    %dma_start3A_250 = arith.constant 0 : i32
    %dma_start3A_251 = tpu.memref_slice %arg8[%dma_start3A_248, %dma_start3A_249, %dma_start3A_250] : memref<4x128x128xf32, #tpu.memory_space<vmem>> -> memref<1x128x128xf32, #tpu.memory_space<vmem>>
    %dma_start3A_252 = tpu.memref_squeeze %dma_start3A_251 : memref<1x128x128xf32, #tpu.memory_space<vmem>> -> memref<128x128xf32, #tpu.memory_space<vmem>>
    %dma_start3A_253 = arith.constant 0 : i32
    %dma_start3A_254 = tpu.memref_slice %arg7[%dma_start3A_247, %dma_start3A_253] : memref<4x128xi32, #tpu.memory_space<vmem>> -> memref<1x128xi32, #tpu.memory_space<vmem>>
    %dma_start3A_255 = tpu.memref_squeeze %dma_start3A_254 : memref<1x128xi32, #tpu.memory_space<vmem>> -> memref<128xi32, #tpu.memory_space<vmem>>
    %dma_start3A_256 = arith.constant 0 : i32
    %dma_start3A_257 = arith.constant 0 : i32
    %dma_start3A_258 = tpu.memref_slice %arg4[%dma_start3A_256, %dma_start3A_257] : memref<100000x128xf32, #tpu.memory_space<hbm>> -> memref<100000x128xf32, #tpu.memory_space<hbm>>
    tpu.enqueue_indirect_dma source(%dma_start3A_258 : memref<100000x128xf32, #tpu.memory_space<hbm>>) target(%dma_start3A_252 : memref<128x128xf32, #tpu.memory_space<vmem>>) offsets(%dma_start3A_255 : memref<128xi32, #tpu.memory_space<vmem>>) semaphore(%arg12 : memref<!tpu.dma_semaphore, #tpu.memory_space<semaphore_mem>>)
    %dma_wait3A_259 = arith.constant 3 : i32
    %dma_wait3A_260 = arith.constant 0 : i32
    %dma_wait3A_261 = arith.constant 0 : i32
    %dma_wait3A_262 = arith.constant 0 : i32
    %dma_wait3A_263 = tpu.memref_slice %arg8[%dma_wait3A_260, %dma_wait3A_261, %dma_wait3A_262] : memref<4x128x128xf32, #tpu.memory_space<vmem>> -> memref<1x128x128xf32, #tpu.memory_space<vmem>>
    %dma_wait3A_264 = tpu.memref_squeeze %dma_wait3A_263 : memref<1x128x128xf32, #tpu.memory_space<vmem>> -> memref<128x128xf32, #tpu.memory_space<vmem>>
    %dma_wait3A_265 = arith.constant 0 : i32
    %dma_wait3A_266 = tpu.memref_slice %arg7[%dma_wait3A_259, %dma_wait3A_265] : memref<4x128xi32, #tpu.memory_space<vmem>> -> memref<1x128xi32, #tpu.memory_space<vmem>>
    %dma_wait3A_267 = tpu.memref_squeeze %dma_wait3A_266 : memref<1x128xi32, #tpu.memory_space<vmem>> -> memref<128xi32, #tpu.memory_space<vmem>>
    %dma_wait3A_268 = arith.constant 0 : i32
    %dma_wait3A_269 = arith.constant 0 : i32
    %dma_wait3A_270 = tpu.memref_slice %arg3[%dma_wait3A_268, %dma_wait3A_269] : memref<100000x128xf32, #tpu.memory_space<hbm>> -> memref<100000x128xf32, #tpu.memory_space<hbm>>
    tpu.wait_indirect_dma semaphore(%arg9 : memref<!tpu.dma_semaphore, #tpu.memory_space<semaphore_mem>>) src(%dma_wait3A_270 : memref<100000x128xf32, #tpu.memory_space<hbm>>) dst(%dma_wait3A_264 : memref<128x128xf32, #tpu.memory_space<vmem>>)
    %add3A_271 = arith.constant 384 : i32
    %add3A_272 = arith.addi %mul3A_2, %add3A_271 : i32
    %dma_start3A_273 = arith.constant 0 : i32
    %dma_start3A_274 = arith.constant 0 : i32
    %dma_start3A_275 = arith.constant 0 : i32
    %dma_start3A_276 = tpu.memref_slice %arg8[%dma_start3A_273, %dma_start3A_274, %dma_start3A_275] : memref<4x128x128xf32, #tpu.memory_space<vmem>> -> memref<1x128x128xf32, #tpu.memory_space<vmem>>
    %dma_start3A_277 = tpu.memref_squeeze %dma_start3A_276 : memref<1x128x128xf32, #tpu.memory_space<vmem>> -> memref<128x128xf32, #tpu.memory_space<vmem>>
    %dma_start3A_278 = arith.constant 0 : i32
    %dma_start3A_279 = tpu.memref_slice %arg5[%add3A_272, %dma_start3A_278] : memref<16384x128xf32, #tpu.memory_space<hbm>> -> memref<128x128xf32, #tpu.memory_space<hbm>>
    %dma_start3A_280 = arith.constant 0 : i32
    %dma_start3A_281 = tpu.memref_slice %arg5[%add3A_272, %dma_start3A_280] : memref<16384x128xf32, #tpu.memory_space<hbm>> -> memref<128x128xf32, #tpu.memory_space<hbm>>
    %dma_start3A_282 = arith.constant 0 : i32
    %dma_start3A_283 = arith.constant 0 : i32
    %dma_start3A_284 = tpu.memref_slice %arg8[%dma_start3A_273, %dma_start3A_282, %dma_start3A_283] : memref<4x128x128xf32, #tpu.memory_space<vmem>> -> memref<1x128x128xf32, #tpu.memory_space<vmem>>
    %dma_start3A_285 = tpu.memref_squeeze %dma_start3A_284 : memref<1x128x128xf32, #tpu.memory_space<vmem>> -> memref<128x128xf32, #tpu.memory_space<vmem>>
    tpu.enqueue_dma source(%dma_start3A_285 : memref<128x128xf32, #tpu.memory_space<vmem>>) target(%dma_start3A_281 : memref<128x128xf32, #tpu.memory_space<hbm>>) target_semaphore(%arg13 : memref<!tpu.dma_semaphore, #tpu.memory_space<semaphore_mem>>)
    %dma_wait3A_286 = arith.constant 0 : i32
    %dma_wait3A_287 = arith.constant 0 : i32
    %dma_wait3A_288 = arith.constant 0 : i32
    %dma_wait3A_289 = tpu.memref_slice %arg8[%dma_wait3A_286, %dma_wait3A_287, %dma_wait3A_288] : memref<4x128x128xf32, #tpu.memory_space<vmem>> -> memref<1x128x128xf32, #tpu.memory_space<vmem>>
    %dma_wait3A_290 = tpu.memref_squeeze %dma_wait3A_289 : memref<1x128x128xf32, #tpu.memory_space<vmem>> -> memref<128x128xf32, #tpu.memory_space<vmem>>
    %dma_wait3A_291 = arith.constant 0 : i32
    %dma_wait3A_292 = tpu.memref_slice %arg5[%add3A_272, %dma_wait3A_291] : memref<16384x128xf32, #tpu.memory_space<hbm>> -> memref<128x128xf32, #tpu.memory_space<hbm>>
    %dma_wait3A_293 = arith.constant 0 : i32
    %dma_wait3A_294 = tpu.memref_slice %arg5[%add3A_272, %dma_wait3A_293] : memref<16384x128xf32, #tpu.memory_space<hbm>> -> memref<128x128xf32, #tpu.memory_space<hbm>>
    %dma_wait3A_295 = arith.constant 0 : i32
    %dma_wait3A_296 = arith.constant 0 : i32
    %dma_wait3A_297 = tpu.memref_slice %arg8[%dma_wait3A_286, %dma_wait3A_295, %dma_wait3A_296] : memref<4x128x128xf32, #tpu.memory_space<vmem>> -> memref<1x128x128xf32, #tpu.memory_space<vmem>>
    %dma_wait3A_298 = tpu.memref_squeeze %dma_wait3A_297 : memref<1x128x128xf32, #tpu.memory_space<vmem>> -> memref<128x128xf32, #tpu.memory_space<vmem>>
    tpu.wait_dma2 semaphore(%arg13 : memref<!tpu.dma_semaphore, #tpu.memory_space<semaphore_mem>>) src(%dma_wait3A_298 : memref<128x128xf32, #tpu.memory_space<vmem>>) dst(%dma_wait3A_294 : memref<128x128xf32, #tpu.memory_space<hbm>>)
    %dma_start3A_299 = arith.constant 3 : i32
    %dma_start3A_300 = arith.constant 0 : i32
    %dma_start3A_301 = arith.constant 0 : i32
    %dma_start3A_302 = arith.constant 0 : i32
    %dma_start3A_303 = tpu.memref_slice %arg8[%dma_start3A_300, %dma_start3A_301, %dma_start3A_302] : memref<4x128x128xf32, #tpu.memory_space<vmem>> -> memref<1x64x128xf32, #tpu.memory_space<vmem>>
    %dma_start3A_304 = tpu.memref_squeeze %dma_start3A_303 : memref<1x64x128xf32, #tpu.memory_space<vmem>> -> memref<64x128xf32, #tpu.memory_space<vmem>>
    %dma_start3A_305 = arith.constant 0 : i32
    %dma_start3A_306 = tpu.memref_slice %arg7[%dma_start3A_299, %dma_start3A_305] : memref<4x128xi32, #tpu.memory_space<vmem>> -> memref<1x64xi32, #tpu.memory_space<vmem>>
    %dma_start3A_307 = tpu.memref_squeeze %dma_start3A_306 : memref<1x64xi32, #tpu.memory_space<vmem>> -> memref<64xi32, #tpu.memory_space<vmem>>
    %dma_start3A_308 = arith.constant 0 : i32
    %dma_start3A_309 = arith.constant 0 : i32
    %dma_start3A_310 = tpu.memref_slice %arg4[%dma_start3A_308, %dma_start3A_309] : memref<100000x128xf32, #tpu.memory_space<hbm>> -> memref<100000x128xf32, #tpu.memory_space<hbm>>
    tpu.enqueue_indirect_dma source(%dma_start3A_310 : memref<100000x128xf32, #tpu.memory_space<hbm>>) target(%dma_start3A_304 : memref<64x128xf32, #tpu.memory_space<vmem>>) offsets(%dma_start3A_307 : memref<64xi32, #tpu.memory_space<vmem>>) semaphore(%arg9 : memref<!tpu.dma_semaphore, #tpu.memory_space<semaphore_mem>>)
    %dma_wait3A_311 = arith.constant 0 : i32
    %dma_wait3A_312 = arith.constant 1 : i32
    %dma_wait3A_313 = arith.constant 0 : i32
    %dma_wait3A_314 = arith.constant 0 : i32
    %dma_wait3A_315 = tpu.memref_slice %arg8[%dma_wait3A_312, %dma_wait3A_313, %dma_wait3A_314] : memref<4x128x128xf32, #tpu.memory_space<vmem>> -> memref<1x128x128xf32, #tpu.memory_space<vmem>>
    %dma_wait3A_316 = tpu.memref_squeeze %dma_wait3A_315 : memref<1x128x128xf32, #tpu.memory_space<vmem>> -> memref<128x128xf32, #tpu.memory_space<vmem>>
    %dma_wait3A_317 = arith.constant 0 : i32
    %dma_wait3A_318 = tpu.memref_slice %arg7[%dma_wait3A_311, %dma_wait3A_317] : memref<4x128xi32, #tpu.memory_space<vmem>> -> memref<1x128xi32, #tpu.memory_space<vmem>>
    %dma_wait3A_319 = tpu.memref_squeeze %dma_wait3A_318 : memref<1x128xi32, #tpu.memory_space<vmem>> -> memref<128xi32, #tpu.memory_space<vmem>>
    %dma_wait3A_320 = arith.constant 0 : i32
    %dma_wait3A_321 = arith.constant 0 : i32
    %dma_wait3A_322 = tpu.memref_slice %arg4[%dma_wait3A_320, %dma_wait3A_321] : memref<100000x128xf32, #tpu.memory_space<hbm>> -> memref<100000x128xf32, #tpu.memory_space<hbm>>
    tpu.wait_indirect_dma semaphore(%arg10 : memref<!tpu.dma_semaphore, #tpu.memory_space<semaphore_mem>>) src(%dma_wait3A_322 : memref<100000x128xf32, #tpu.memory_space<hbm>>) dst(%dma_wait3A_316 : memref<128x128xf32, #tpu.memory_space<vmem>>)
    %add3A_323 = arith.constant 0 : i32
    %add3A_324 = arith.addi %mul3A_2, %add3A_323 : i32
    %dma_start3A_325 = arith.constant 1 : i32
    %dma_start3A_326 = arith.constant 0 : i32
    %dma_start3A_327 = arith.constant 0 : i32
    %dma_start3A_328 = tpu.memref_slice %arg8[%dma_start3A_325, %dma_start3A_326, %dma_start3A_327] : memref<4x128x128xf32, #tpu.memory_space<vmem>> -> memref<1x128x128xf32, #tpu.memory_space<vmem>>
    %dma_start3A_329 = tpu.memref_squeeze %dma_start3A_328 : memref<1x128x128xf32, #tpu.memory_space<vmem>> -> memref<128x128xf32, #tpu.memory_space<vmem>>
    %dma_start3A_330 = arith.constant 0 : i32
    %dma_start3A_331 = tpu.memref_slice %arg6[%add3A_324, %dma_start3A_330] : memref<16384x128xf32, #tpu.memory_space<hbm>> -> memref<128x128xf32, #tpu.memory_space<hbm>>
    %dma_start3A_332 = arith.constant 0 : i32
    %dma_start3A_333 = tpu.memref_slice %arg6[%add3A_324, %dma_start3A_332] : memref<16384x128xf32, #tpu.memory_space<hbm>> -> memref<128x128xf32, #tpu.memory_space<hbm>>
    %dma_start3A_334 = arith.constant 0 : i32
    %dma_start3A_335 = arith.constant 0 : i32
    %dma_start3A_336 = tpu.memref_slice %arg8[%dma_start3A_325, %dma_start3A_334, %dma_start3A_335] : memref<4x128x128xf32, #tpu.memory_space<vmem>> -> memref<1x128x128xf32, #tpu.memory_space<vmem>>
    %dma_start3A_337 = tpu.memref_squeeze %dma_start3A_336 : memref<1x128x128xf32, #tpu.memory_space<vmem>> -> memref<128x128xf32, #tpu.memory_space<vmem>>
    tpu.enqueue_dma source(%dma_start3A_337 : memref<128x128xf32, #tpu.memory_space<vmem>>) target(%dma_start3A_333 : memref<128x128xf32, #tpu.memory_space<hbm>>) target_semaphore(%arg14 : memref<!tpu.dma_semaphore, #tpu.memory_space<semaphore_mem>>)
    %dma_wait3A_338 = arith.constant 1 : i32
    %dma_wait3A_339 = arith.constant 0 : i32
    %dma_wait3A_340 = arith.constant 0 : i32
    %dma_wait3A_341 = tpu.memref_slice %arg8[%dma_wait3A_338, %dma_wait3A_339, %dma_wait3A_340] : memref<4x128x128xf32, #tpu.memory_space<vmem>> -> memref<1x128x128xf32, #tpu.memory_space<vmem>>
    %dma_wait3A_342 = tpu.memref_squeeze %dma_wait3A_341 : memref<1x128x128xf32, #tpu.memory_space<vmem>> -> memref<128x128xf32, #tpu.memory_space<vmem>>
    %dma_wait3A_343 = arith.constant 0 : i32
    %dma_wait3A_344 = tpu.memref_slice %arg6[%add3A_324, %dma_wait3A_343] : memref<16384x128xf32, #tpu.memory_space<hbm>> -> memref<128x128xf32, #tpu.memory_space<hbm>>
    %dma_wait3A_345 = arith.constant 0 : i32
    %dma_wait3A_346 = tpu.memref_slice %arg6[%add3A_324, %dma_wait3A_345] : memref<16384x128xf32, #tpu.memory_space<hbm>> -> memref<128x128xf32, #tpu.memory_space<hbm>>
    %dma_wait3A_347 = arith.constant 0 : i32
    %dma_wait3A_348 = arith.constant 0 : i32
    %dma_wait3A_349 = tpu.memref_slice %arg8[%dma_wait3A_338, %dma_wait3A_347, %dma_wait3A_348] : memref<4x128x128xf32, #tpu.memory_space<vmem>> -> memref<1x128x128xf32, #tpu.memory_space<vmem>>
    %dma_wait3A_350 = tpu.memref_squeeze %dma_wait3A_349 : memref<1x128x128xf32, #tpu.memory_space<vmem>> -> memref<128x128xf32, #tpu.memory_space<vmem>>
    tpu.wait_dma2 semaphore(%arg14 : memref<!tpu.dma_semaphore, #tpu.memory_space<semaphore_mem>>) src(%dma_wait3A_350 : memref<128x128xf32, #tpu.memory_space<vmem>>) dst(%dma_wait3A_346 : memref<128x128xf32, #tpu.memory_space<hbm>>)
    %dma_start3A_351 = arith.constant 3 : i32
    %dma_start3A_352 = arith.constant 1 : i32
    %dma_start3A_353 = arith.constant 0 : i32
    %dma_start3A_354 = arith.constant 0 : i32
    %dma_start3A_355 = tpu.memref_slice %arg8[%dma_start3A_352, %dma_start3A_353, %dma_start3A_354] : memref<4x128x128xf32, #tpu.memory_space<vmem>> -> memref<1x64x128xf32, #tpu.memory_space<vmem>>
    %dma_start3A_356 = tpu.memref_squeeze %dma_start3A_355 : memref<1x64x128xf32, #tpu.memory_space<vmem>> -> memref<64x128xf32, #tpu.memory_space<vmem>>
    %dma_start3A_357 = arith.constant 64 : i32
    %dma_start3A_358 = tpu.memref_slice %arg7[%dma_start3A_351, %dma_start3A_357] : memref<4x128xi32, #tpu.memory_space<vmem>> -> memref<1x64xi32, #tpu.memory_space<vmem>>
    %dma_start3A_359 = tpu.memref_squeeze %dma_start3A_358 : memref<1x64xi32, #tpu.memory_space<vmem>> -> memref<64xi32, #tpu.memory_space<vmem>>
    %dma_start3A_360 = arith.constant 0 : i32
    %dma_start3A_361 = arith.constant 0 : i32
    %dma_start3A_362 = tpu.memref_slice %arg4[%dma_start3A_360, %dma_start3A_361] : memref<100000x128xf32, #tpu.memory_space<hbm>> -> memref<100000x128xf32, #tpu.memory_space<hbm>>
    tpu.enqueue_indirect_dma source(%dma_start3A_362 : memref<100000x128xf32, #tpu.memory_space<hbm>>) target(%dma_start3A_356 : memref<64x128xf32, #tpu.memory_space<vmem>>) offsets(%dma_start3A_359 : memref<64xi32, #tpu.memory_space<vmem>>) semaphore(%arg10 : memref<!tpu.dma_semaphore, #tpu.memory_space<semaphore_mem>>)
    %dma_wait3A_363 = arith.constant 1 : i32
    %dma_wait3A_364 = arith.constant 2 : i32
    %dma_wait3A_365 = arith.constant 0 : i32
    %dma_wait3A_366 = arith.constant 0 : i32
    %dma_wait3A_367 = tpu.memref_slice %arg8[%dma_wait3A_364, %dma_wait3A_365, %dma_wait3A_366] : memref<4x128x128xf32, #tpu.memory_space<vmem>> -> memref<1x128x128xf32, #tpu.memory_space<vmem>>
    %dma_wait3A_368 = tpu.memref_squeeze %dma_wait3A_367 : memref<1x128x128xf32, #tpu.memory_space<vmem>> -> memref<128x128xf32, #tpu.memory_space<vmem>>
    %dma_wait3A_369 = arith.constant 0 : i32
    %dma_wait3A_370 = tpu.memref_slice %arg7[%dma_wait3A_363, %dma_wait3A_369] : memref<4x128xi32, #tpu.memory_space<vmem>> -> memref<1x128xi32, #tpu.memory_space<vmem>>
    %dma_wait3A_371 = tpu.memref_squeeze %dma_wait3A_370 : memref<1x128xi32, #tpu.memory_space<vmem>> -> memref<128xi32, #tpu.memory_space<vmem>>
    %dma_wait3A_372 = arith.constant 0 : i32
    %dma_wait3A_373 = arith.constant 0 : i32
    %dma_wait3A_374 = tpu.memref_slice %arg4[%dma_wait3A_372, %dma_wait3A_373] : memref<100000x128xf32, #tpu.memory_space<hbm>> -> memref<100000x128xf32, #tpu.memory_space<hbm>>
    tpu.wait_indirect_dma semaphore(%arg11 : memref<!tpu.dma_semaphore, #tpu.memory_space<semaphore_mem>>) src(%dma_wait3A_374 : memref<100000x128xf32, #tpu.memory_space<hbm>>) dst(%dma_wait3A_368 : memref<128x128xf32, #tpu.memory_space<vmem>>)
    %add3A_375 = arith.constant 128 : i32
    %add3A_376 = arith.addi %mul3A_2, %add3A_375 : i32
    %dma_start3A_377 = arith.constant 2 : i32
    %dma_start3A_378 = arith.constant 0 : i32
    %dma_start3A_379 = arith.constant 0 : i32
    %dma_start3A_380 = tpu.memref_slice %arg8[%dma_start3A_377, %dma_start3A_378, %dma_start3A_379] : memref<4x128x128xf32, #tpu.memory_space<vmem>> -> memref<1x128x128xf32, #tpu.memory_space<vmem>>
    %dma_start3A_381 = tpu.memref_squeeze %dma_start3A_380 : memref<1x128x128xf32, #tpu.memory_space<vmem>> -> memref<128x128xf32, #tpu.memory_space<vmem>>
    %dma_start3A_382 = arith.constant 0 : i32
    %dma_start3A_383 = tpu.memref_slice %arg6[%add3A_376, %dma_start3A_382] : memref<16384x128xf32, #tpu.memory_space<hbm>> -> memref<128x128xf32, #tpu.memory_space<hbm>>
    %dma_start3A_384 = arith.constant 0 : i32
    %dma_start3A_385 = tpu.memref_slice %arg6[%add3A_376, %dma_start3A_384] : memref<16384x128xf32, #tpu.memory_space<hbm>> -> memref<128x128xf32, #tpu.memory_space<hbm>>
    %dma_start3A_386 = arith.constant 0 : i32
    %dma_start3A_387 = arith.constant 0 : i32
    %dma_start3A_388 = tpu.memref_slice %arg8[%dma_start3A_377, %dma_start3A_386, %dma_start3A_387] : memref<4x128x128xf32, #tpu.memory_space<vmem>> -> memref<1x128x128xf32, #tpu.memory_space<vmem>>
    %dma_start3A_389 = tpu.memref_squeeze %dma_start3A_388 : memref<1x128x128xf32, #tpu.memory_space<vmem>> -> memref<128x128xf32, #tpu.memory_space<vmem>>
    tpu.enqueue_dma source(%dma_start3A_389 : memref<128x128xf32, #tpu.memory_space<vmem>>) target(%dma_start3A_385 : memref<128x128xf32, #tpu.memory_space<hbm>>) target_semaphore(%arg15 : memref<!tpu.dma_semaphore, #tpu.memory_space<semaphore_mem>>)
    %dma_wait3A_390 = arith.constant 2 : i32
    %dma_wait3A_391 = arith.constant 3 : i32
    %dma_wait3A_392 = arith.constant 0 : i32
    %dma_wait3A_393 = arith.constant 0 : i32
    %dma_wait3A_394 = tpu.memref_slice %arg8[%dma_wait3A_391, %dma_wait3A_392, %dma_wait3A_393] : memref<4x128x128xf32, #tpu.memory_space<vmem>> -> memref<1x128x128xf32, #tpu.memory_space<vmem>>
    %dma_wait3A_395 = tpu.memref_squeeze %dma_wait3A_394 : memref<1x128x128xf32, #tpu.memory_space<vmem>> -> memref<128x128xf32, #tpu.memory_space<vmem>>
    %dma_wait3A_396 = arith.constant 0 : i32
    %dma_wait3A_397 = tpu.memref_slice %arg7[%dma_wait3A_390, %dma_wait3A_396] : memref<4x128xi32, #tpu.memory_space<vmem>> -> memref<1x128xi32, #tpu.memory_space<vmem>>
    %dma_wait3A_398 = tpu.memref_squeeze %dma_wait3A_397 : memref<1x128xi32, #tpu.memory_space<vmem>> -> memref<128xi32, #tpu.memory_space<vmem>>
    %dma_wait3A_399 = arith.constant 0 : i32
    %dma_wait3A_400 = arith.constant 0 : i32
    %dma_wait3A_401 = tpu.memref_slice %arg4[%dma_wait3A_399, %dma_wait3A_400] : memref<100000x128xf32, #tpu.memory_space<hbm>> -> memref<100000x128xf32, #tpu.memory_space<hbm>>
    tpu.wait_indirect_dma semaphore(%arg12 : memref<!tpu.dma_semaphore, #tpu.memory_space<semaphore_mem>>) src(%dma_wait3A_401 : memref<100000x128xf32, #tpu.memory_space<hbm>>) dst(%dma_wait3A_395 : memref<128x128xf32, #tpu.memory_space<vmem>>)
    %add3A_402 = arith.constant 256 : i32
    %add3A_403 = arith.addi %mul3A_2, %add3A_402 : i32
    %dma_start3A_404 = arith.constant 3 : i32
    %dma_start3A_405 = arith.constant 0 : i32
    %dma_start3A_406 = arith.constant 0 : i32
    %dma_start3A_407 = tpu.memref_slice %arg8[%dma_start3A_404, %dma_start3A_405, %dma_start3A_406] : memref<4x128x128xf32, #tpu.memory_space<vmem>> -> memref<1x128x128xf32, #tpu.memory_space<vmem>>
    %dma_start3A_408 = tpu.memref_squeeze %dma_start3A_407 : memref<1x128x128xf32, #tpu.memory_space<vmem>> -> memref<128x128xf32, #tpu.memory_space<vmem>>
    %dma_start3A_409 = arith.constant 0 : i32
    %dma_start3A_410 = tpu.memref_slice %arg6[%add3A_403, %dma_start3A_409] : memref<16384x128xf32, #tpu.memory_space<hbm>> -> memref<128x128xf32, #tpu.memory_space<hbm>>
    %dma_start3A_411 = arith.constant 0 : i32
    %dma_start3A_412 = tpu.memref_slice %arg6[%add3A_403, %dma_start3A_411] : memref<16384x128xf32, #tpu.memory_space<hbm>> -> memref<128x128xf32, #tpu.memory_space<hbm>>
    %dma_start3A_413 = arith.constant 0 : i32
    %dma_start3A_414 = arith.constant 0 : i32
    %dma_start3A_415 = tpu.memref_slice %arg8[%dma_start3A_404, %dma_start3A_413, %dma_start3A_414] : memref<4x128x128xf32, #tpu.memory_space<vmem>> -> memref<1x128x128xf32, #tpu.memory_space<vmem>>
    %dma_start3A_416 = tpu.memref_squeeze %dma_start3A_415 : memref<1x128x128xf32, #tpu.memory_space<vmem>> -> memref<128x128xf32, #tpu.memory_space<vmem>>
    tpu.enqueue_dma source(%dma_start3A_416 : memref<128x128xf32, #tpu.memory_space<vmem>>) target(%dma_start3A_412 : memref<128x128xf32, #tpu.memory_space<hbm>>) target_semaphore(%arg16 : memref<!tpu.dma_semaphore, #tpu.memory_space<semaphore_mem>>)
    %dma_wait3A_417 = arith.constant 3 : i32
    %dma_wait3A_418 = arith.constant 0 : i32
    %dma_wait3A_419 = arith.constant 0 : i32
    %dma_wait3A_420 = arith.constant 0 : i32
    %dma_wait3A_421 = tpu.memref_slice %arg8[%dma_wait3A_418, %dma_wait3A_419, %dma_wait3A_420] : memref<4x128x128xf32, #tpu.memory_space<vmem>> -> memref<1x64x128xf32, #tpu.memory_space<vmem>>
    %dma_wait3A_422 = tpu.memref_squeeze %dma_wait3A_421 : memref<1x64x128xf32, #tpu.memory_space<vmem>> -> memref<64x128xf32, #tpu.memory_space<vmem>>
    %dma_wait3A_423 = arith.constant 0 : i32
    %dma_wait3A_424 = tpu.memref_slice %arg7[%dma_wait3A_417, %dma_wait3A_423] : memref<4x128xi32, #tpu.memory_space<vmem>> -> memref<1x64xi32, #tpu.memory_space<vmem>>
    %dma_wait3A_425 = tpu.memref_squeeze %dma_wait3A_424 : memref<1x64xi32, #tpu.memory_space<vmem>> -> memref<64xi32, #tpu.memory_space<vmem>>
    %dma_wait3A_426 = arith.constant 0 : i32
    %dma_wait3A_427 = arith.constant 0 : i32
    %dma_wait3A_428 = tpu.memref_slice %arg4[%dma_wait3A_426, %dma_wait3A_427] : memref<100000x128xf32, #tpu.memory_space<hbm>> -> memref<100000x128xf32, #tpu.memory_space<hbm>>
    tpu.wait_indirect_dma semaphore(%arg9 : memref<!tpu.dma_semaphore, #tpu.memory_space<semaphore_mem>>) src(%dma_wait3A_428 : memref<100000x128xf32, #tpu.memory_space<hbm>>) dst(%dma_wait3A_422 : memref<64x128xf32, #tpu.memory_space<vmem>>)
    %add3A_429 = arith.constant 384 : i32
    %add3A_430 = arith.addi %mul3A_2, %add3A_429 : i32
    %dma_start3A_431 = arith.constant 0 : i32
    %dma_start3A_432 = arith.constant 0 : i32
    %dma_start3A_433 = arith.constant 0 : i32
    %dma_start3A_434 = tpu.memref_slice %arg8[%dma_start3A_431, %dma_start3A_432, %dma_start3A_433] : memref<4x128x128xf32, #tpu.memory_space<vmem>> -> memref<1x64x128xf32, #tpu.memory_space<vmem>>
    %dma_start3A_435 = tpu.memref_squeeze %dma_start3A_434 : memref<1x64x128xf32, #tpu.memory_space<vmem>> -> memref<64x128xf32, #tpu.memory_space<vmem>>
    %dma_start3A_436 = arith.constant 0 : i32
    %dma_start3A_437 = tpu.memref_slice %arg6[%add3A_430, %dma_start3A_436] : memref<16384x128xf32, #tpu.memory_space<hbm>> -> memref<64x128xf32, #tpu.memory_space<hbm>>
    %dma_start3A_438 = arith.constant 0 : i32
    %dma_start3A_439 = tpu.memref_slice %arg6[%add3A_430, %dma_start3A_438] : memref<16384x128xf32, #tpu.memory_space<hbm>> -> memref<64x128xf32, #tpu.memory_space<hbm>>
    %dma_start3A_440 = arith.constant 0 : i32
    %dma_start3A_441 = arith.constant 0 : i32
    %dma_start3A_442 = tpu.memref_slice %arg8[%dma_start3A_431, %dma_start3A_440, %dma_start3A_441] : memref<4x128x128xf32, #tpu.memory_space<vmem>> -> memref<1x64x128xf32, #tpu.memory_space<vmem>>
    %dma_start3A_443 = tpu.memref_squeeze %dma_start3A_442 : memref<1x64x128xf32, #tpu.memory_space<vmem>> -> memref<64x128xf32, #tpu.memory_space<vmem>>
    tpu.enqueue_dma source(%dma_start3A_443 : memref<64x128xf32, #tpu.memory_space<vmem>>) target(%dma_start3A_439 : memref<64x128xf32, #tpu.memory_space<hbm>>) target_semaphore(%arg13 : memref<!tpu.dma_semaphore, #tpu.memory_space<semaphore_mem>>)
    %dma_wait3A_444 = arith.constant 3 : i32
    %dma_wait3A_445 = arith.constant 1 : i32
    %dma_wait3A_446 = arith.constant 0 : i32
    %dma_wait3A_447 = arith.constant 0 : i32
    %dma_wait3A_448 = tpu.memref_slice %arg8[%dma_wait3A_445, %dma_wait3A_446, %dma_wait3A_447] : memref<4x128x128xf32, #tpu.memory_space<vmem>> -> memref<1x64x128xf32, #tpu.memory_space<vmem>>
    %dma_wait3A_449 = tpu.memref_squeeze %dma_wait3A_448 : memref<1x64x128xf32, #tpu.memory_space<vmem>> -> memref<64x128xf32, #tpu.memory_space<vmem>>
    %dma_wait3A_450 = arith.constant 64 : i32
    %dma_wait3A_451 = tpu.memref_slice %arg7[%dma_wait3A_444, %dma_wait3A_450] : memref<4x128xi32, #tpu.memory_space<vmem>> -> memref<1x64xi32, #tpu.memory_space<vmem>>
    %dma_wait3A_452 = tpu.memref_squeeze %dma_wait3A_451 : memref<1x64xi32, #tpu.memory_space<vmem>> -> memref<64xi32, #tpu.memory_space<vmem>>
    %dma_wait3A_453 = arith.constant 0 : i32
    %dma_wait3A_454 = arith.constant 0 : i32
    %dma_wait3A_455 = tpu.memref_slice %arg4[%dma_wait3A_453, %dma_wait3A_454] : memref<100000x128xf32, #tpu.memory_space<hbm>> -> memref<100000x128xf32, #tpu.memory_space<hbm>>
    tpu.wait_indirect_dma semaphore(%arg10 : memref<!tpu.dma_semaphore, #tpu.memory_space<semaphore_mem>>) src(%dma_wait3A_455 : memref<100000x128xf32, #tpu.memory_space<hbm>>) dst(%dma_wait3A_449 : memref<64x128xf32, #tpu.memory_space<vmem>>)
    %add3A_456 = arith.constant 448 : i32
    %add3A_457 = arith.addi %mul3A_2, %add3A_456 : i32
    %dma_start3A_458 = arith.constant 1 : i32
    %dma_start3A_459 = arith.constant 0 : i32
    %dma_start3A_460 = arith.constant 0 : i32
    %dma_start3A_461 = tpu.memref_slice %arg8[%dma_start3A_458, %dma_start3A_459, %dma_start3A_460] : memref<4x128x128xf32, #tpu.memory_space<vmem>> -> memref<1x64x128xf32, #tpu.memory_space<vmem>>
    %dma_start3A_462 = tpu.memref_squeeze %dma_start3A_461 : memref<1x64x128xf32, #tpu.memory_space<vmem>> -> memref<64x128xf32, #tpu.memory_space<vmem>>
    %dma_start3A_463 = arith.constant 0 : i32
    %dma_start3A_464 = tpu.memref_slice %arg6[%add3A_457, %dma_start3A_463] : memref<16384x128xf32, #tpu.memory_space<hbm>> -> memref<64x128xf32, #tpu.memory_space<hbm>>
    %dma_start3A_465 = arith.constant 0 : i32
    %dma_start3A_466 = tpu.memref_slice %arg6[%add3A_457, %dma_start3A_465] : memref<16384x128xf32, #tpu.memory_space<hbm>> -> memref<64x128xf32, #tpu.memory_space<hbm>>
    %dma_start3A_467 = arith.constant 0 : i32
    %dma_start3A_468 = arith.constant 0 : i32
    %dma_start3A_469 = tpu.memref_slice %arg8[%dma_start3A_458, %dma_start3A_467, %dma_start3A_468] : memref<4x128x128xf32, #tpu.memory_space<vmem>> -> memref<1x64x128xf32, #tpu.memory_space<vmem>>
    %dma_start3A_470 = tpu.memref_squeeze %dma_start3A_469 : memref<1x64x128xf32, #tpu.memory_space<vmem>> -> memref<64x128xf32, #tpu.memory_space<vmem>>
    tpu.enqueue_dma source(%dma_start3A_470 : memref<64x128xf32, #tpu.memory_space<vmem>>) target(%dma_start3A_466 : memref<64x128xf32, #tpu.memory_space<hbm>>) target_semaphore(%arg14 : memref<!tpu.dma_semaphore, #tpu.memory_space<semaphore_mem>>)
    %dma_wait3A_471 = arith.constant 0 : i32
    %dma_wait3A_472 = arith.constant 0 : i32
    %dma_wait3A_473 = arith.constant 0 : i32
    %dma_wait3A_474 = tpu.memref_slice %arg8[%dma_wait3A_471, %dma_wait3A_472, %dma_wait3A_473] : memref<4x128x128xf32, #tpu.memory_space<vmem>> -> memref<1x64x128xf32, #tpu.memory_space<vmem>>
    %dma_wait3A_475 = tpu.memref_squeeze %dma_wait3A_474 : memref<1x64x128xf32, #tpu.memory_space<vmem>> -> memref<64x128xf32, #tpu.memory_space<vmem>>
    %dma_wait3A_476 = arith.constant 0 : i32
    %dma_wait3A_477 = tpu.memref_slice %arg6[%add3A_430, %dma_wait3A_476] : memref<16384x128xf32, #tpu.memory_space<hbm>> -> memref<64x128xf32, #tpu.memory_space<hbm>>
    %dma_wait3A_478 = arith.constant 0 : i32
    %dma_wait3A_479 = tpu.memref_slice %arg6[%add3A_430, %dma_wait3A_478] : memref<16384x128xf32, #tpu.memory_space<hbm>> -> memref<64x128xf32, #tpu.memory_space<hbm>>
    %dma_wait3A_480 = arith.constant 0 : i32
    %dma_wait3A_481 = arith.constant 0 : i32
    %dma_wait3A_482 = tpu.memref_slice %arg8[%dma_wait3A_471, %dma_wait3A_480, %dma_wait3A_481] : memref<4x128x128xf32, #tpu.memory_space<vmem>> -> memref<1x64x128xf32, #tpu.memory_space<vmem>>
    %dma_wait3A_483 = tpu.memref_squeeze %dma_wait3A_482 : memref<1x64x128xf32, #tpu.memory_space<vmem>> -> memref<64x128xf32, #tpu.memory_space<vmem>>
    tpu.wait_dma2 semaphore(%arg13 : memref<!tpu.dma_semaphore, #tpu.memory_space<semaphore_mem>>) src(%dma_wait3A_483 : memref<64x128xf32, #tpu.memory_space<vmem>>) dst(%dma_wait3A_479 : memref<64x128xf32, #tpu.memory_space<hbm>>)
    %dma_wait3A_484 = arith.constant 1 : i32
    %dma_wait3A_485 = arith.constant 0 : i32
    %dma_wait3A_486 = arith.constant 0 : i32
    %dma_wait3A_487 = tpu.memref_slice %arg8[%dma_wait3A_484, %dma_wait3A_485, %dma_wait3A_486] : memref<4x128x128xf32, #tpu.memory_space<vmem>> -> memref<1x64x128xf32, #tpu.memory_space<vmem>>
    %dma_wait3A_488 = tpu.memref_squeeze %dma_wait3A_487 : memref<1x64x128xf32, #tpu.memory_space<vmem>> -> memref<64x128xf32, #tpu.memory_space<vmem>>
    %dma_wait3A_489 = arith.constant 0 : i32
    %dma_wait3A_490 = tpu.memref_slice %arg6[%add3A_457, %dma_wait3A_489] : memref<16384x128xf32, #tpu.memory_space<hbm>> -> memref<64x128xf32, #tpu.memory_space<hbm>>
    %dma_wait3A_491 = arith.constant 0 : i32
    %dma_wait3A_492 = tpu.memref_slice %arg6[%add3A_457, %dma_wait3A_491] : memref<16384x128xf32, #tpu.memory_space<hbm>> -> memref<64x128xf32, #tpu.memory_space<hbm>>
    %dma_wait3A_493 = arith.constant 0 : i32
    %dma_wait3A_494 = arith.constant 0 : i32
    %dma_wait3A_495 = tpu.memref_slice %arg8[%dma_wait3A_484, %dma_wait3A_493, %dma_wait3A_494] : memref<4x128x128xf32, #tpu.memory_space<vmem>> -> memref<1x64x128xf32, #tpu.memory_space<vmem>>
    %dma_wait3A_496 = tpu.memref_squeeze %dma_wait3A_495 : memref<1x64x128xf32, #tpu.memory_space<vmem>> -> memref<64x128xf32, #tpu.memory_space<vmem>>
    tpu.wait_dma2 semaphore(%arg14 : memref<!tpu.dma_semaphore, #tpu.memory_space<semaphore_mem>>) src(%dma_wait3A_496 : memref<64x128xf32, #tpu.memory_space<vmem>>) dst(%dma_wait3A_492 : memref<64x128xf32, #tpu.memory_space<hbm>>)
    %dma_wait3A_497 = arith.constant 2 : i32
    %dma_wait3A_498 = arith.constant 0 : i32
    %dma_wait3A_499 = arith.constant 0 : i32
    %dma_wait3A_500 = tpu.memref_slice %arg8[%dma_wait3A_497, %dma_wait3A_498, %dma_wait3A_499] : memref<4x128x128xf32, #tpu.memory_space<vmem>> -> memref<1x128x128xf32, #tpu.memory_space<vmem>>
    %dma_wait3A_501 = tpu.memref_squeeze %dma_wait3A_500 : memref<1x128x128xf32, #tpu.memory_space<vmem>> -> memref<128x128xf32, #tpu.memory_space<vmem>>
    %dma_wait3A_502 = arith.constant 0 : i32
    %dma_wait3A_503 = tpu.memref_slice %arg6[%add3A_376, %dma_wait3A_502] : memref<16384x128xf32, #tpu.memory_space<hbm>> -> memref<128x128xf32, #tpu.memory_space<hbm>>
    %dma_wait3A_504 = arith.constant 0 : i32
    %dma_wait3A_505 = tpu.memref_slice %arg6[%add3A_376, %dma_wait3A_504] : memref<16384x128xf32, #tpu.memory_space<hbm>> -> memref<128x128xf32, #tpu.memory_space<hbm>>
    %dma_wait3A_506 = arith.constant 0 : i32
    %dma_wait3A_507 = arith.constant 0 : i32
    %dma_wait3A_508 = tpu.memref_slice %arg8[%dma_wait3A_497, %dma_wait3A_506, %dma_wait3A_507] : memref<4x128x128xf32, #tpu.memory_space<vmem>> -> memref<1x128x128xf32, #tpu.memory_space<vmem>>
    %dma_wait3A_509 = tpu.memref_squeeze %dma_wait3A_508 : memref<1x128x128xf32, #tpu.memory_space<vmem>> -> memref<128x128xf32, #tpu.memory_space<vmem>>
    tpu.wait_dma2 semaphore(%arg15 : memref<!tpu.dma_semaphore, #tpu.memory_space<semaphore_mem>>) src(%dma_wait3A_509 : memref<128x128xf32, #tpu.memory_space<vmem>>) dst(%dma_wait3A_505 : memref<128x128xf32, #tpu.memory_space<hbm>>)
    %dma_wait3A_510 = arith.constant 3 : i32
    %dma_wait3A_511 = arith.constant 0 : i32
    %dma_wait3A_512 = arith.constant 0 : i32
    %dma_wait3A_513 = tpu.memref_slice %arg8[%dma_wait3A_510, %dma_wait3A_511, %dma_wait3A_512] : memref<4x128x128xf32, #tpu.memory_space<vmem>> -> memref<1x128x128xf32, #tpu.memory_space<vmem>>
    %dma_wait3A_514 = tpu.memref_squeeze %dma_wait3A_513 : memref<1x128x128xf32, #tpu.memory_space<vmem>> -> memref<128x128xf32, #tpu.memory_space<vmem>>
    %dma_wait3A_515 = arith.constant 0 : i32
    %dma_wait3A_516 = tpu.memref_slice %arg6[%add3A_403, %dma_wait3A_515] : memref<16384x128xf32, #tpu.memory_space<hbm>> -> memref<128x128xf32, #tpu.memory_space<hbm>>
    %dma_wait3A_517 = arith.constant 0 : i32
    %dma_wait3A_518 = tpu.memref_slice %arg6[%add3A_403, %dma_wait3A_517] : memref<16384x128xf32, #tpu.memory_space<hbm>> -> memref<128x128xf32, #tpu.memory_space<hbm>>
    %dma_wait3A_519 = arith.constant 0 : i32
    %dma_wait3A_520 = arith.constant 0 : i32
    %dma_wait3A_521 = tpu.memref_slice %arg8[%dma_wait3A_510, %dma_wait3A_519, %dma_wait3A_520] : memref<4x128x128xf32, #tpu.memory_space<vmem>> -> memref<1x128x128xf32, #tpu.memory_space<vmem>>
    %dma_wait3A_522 = tpu.memref_squeeze %dma_wait3A_521 : memref<1x128x128xf32, #tpu.memory_space<vmem>> -> memref<128x128xf32, #tpu.memory_space<vmem>>
    tpu.wait_dma2 semaphore(%arg16 : memref<!tpu.dma_semaphore, #tpu.memory_space<semaphore_mem>>) src(%dma_wait3A_522 : memref<128x128xf32, #tpu.memory_space<vmem>>) dst(%dma_wait3A_518 : memref<128x128xf32, #tpu.memory_space<hbm>>)
    return
  }
}

</mosaic_0001>

<sc_bundles>
// kernel: kernel.3.cloned.1.call-start
scs
__scs_entry_jumppad:
0x0: {  	(pc) =	sbr.rel $0x88, $3  }
0x1: {  	(tag) =	ssettag $0x0;
	lr =	simm.s32 $0x1  }
0x2: {  	[smem:$0x3F9E] =	sst lr;
	_ =	strace $0xD0000000  }
0x3: {  	_ = 	snop  }
0x4: {  	_ = 	snop  }
0x5: {  	_ = 	snop  }
0x6: {  	_ = 	snop  }
0x7: {  	_ = 	snop  }
__scs_overlays_trampoline_lowered:
0x8: {  	[smem:$0x3FAD] =	sst s0  }
0x9: {  	[smem:$0x3FAE] =	sst s1  }
0xa: {  	[smem:$0x3FAF] =	sst s2  }
0xb: {  	[smem:$0x3FB0] =	sst s3  }
0xc: {  	[smem:$0x3FB1] =	sst s4  }
0xd: {  	[smem:$0x3FB2] =	sst s5  }
0xe: {  	[smem:$0x3FB3] =	sst s6  }
0xf: {  	[smem:$0x3FB4] =	sst s7  }
0x10: {  	[smem:$0x3FB5] =	sst s8  }
0x11: {  	[smem:$0x3FB6] =	sst s9;
	s0 =	simm.s32 @!p0 $0x0  }
0x12: {  	s1 =	sld [smem:$0x3F9C];
	s0 =	simm.s32 @p0 $0x1  }
0x13: {  	[smem:$0x3FB7] =	sst s0;
	s0 =	simm.s32 @!p1 $0x0  }
0x14: {  	s2 =	sld [smem:$0x3F9B];
	s0 =	simm.s32 @p1 $0x1  }
0x15: {  	[smem:$0x3FB8] =	sst s0;
	s0 =	simm.s32 @!p2 $0x0  }
0x16: {  	s3 =	sld [smem:$0x3FDB];
	s0 =	simm.s32 @p2 $0x1  }
0x17: {  	s4 =	simm.s32 $0x1BF5;
	[smem:$0x3FBA] =	sst s0  }
0x18: {  	s0 =	sld [smem:$0x3F9D];
	_ =	swait.ge [sflag:s4], $0x0  }
0x19: {  	s7 =	sld [smem:$0x3F9E]  }
0x1a: {  	s8 =	sadd.s32 $0xFFFFE003, lr  }
0x1b: {  	s9 =	sadd.s32 $0xFFFFFEF7, lr;
	s5 =	simm.s32 $0xFFFFFFFF;
	p2 =	slt.u32 s8, $0xFFFFF086  }
0x1c: {  	p1 =	slt.u32 s9, $0xF7A;
	s5 =	simm.s32 @!p2 $0x0  }
0x1d: {  	s5 =	simm.s32 @p1 $0x1;
	p0 =	seq.s32 s7, s2  }
0x1e: {  	s7 =	smul.u32 @!p0 $0xF7A, s2;
	p2 =	seq.s32 @!p0 s5, $0x0  }
0x1f: {  	s9 =	smul.u32 $0xF7A, s1;
	s8 =	simm.s32 @!p0 $0x1BF5;
	p2 =	por !p2, p0  }
0x20: {  	[sflag:s8] =	ssyncset.s32 @!p0 $0xFFFFF086;
	s6 =	sadd.s32 @!p0 s3, s7;
	s7 =	simm.s32 @!p0 $0x108  }
0x21: {  	s3 =	sadd.s32 s3, s9;
	s6 =	sadd.s32 @!p0 $0x88, s6;
	s7 =	simm.s32 @p2 $0x1082  }
0x22: {  	[simem:s7], [sflag:s8] =	dma.local @!p0 [hbm:s6], $0xF7A  }
0x23: {  	s9 =	sor.u32 $0xD0000000, s2;
	s6 =	simm.s32 $0x108;
	_ =	swait.ge @!p0 [sflag:s8], $0x0  }
0x24: {  	s3 =	sadd.s32 $0x88, s3;
	s6 =	simm.s32 @!p1 $0x1082;
	[sflag:s4] =	ssyncset.s32 $0xFFFFF086  }
0x25: {  	[simem:s6], [sflag:s4] =	dma.local [hbm:s3], $0xF7A  }
0x26: {  	[smem:$0x3F9E] =	sst s1;
	(tag) =	ssettag s2;
	_ =	strace s9  }
0x27: {  	s1 =	sld [smem:$0x3FAE]  }
0x28: {  	s2 =	sld [smem:$0x3FAF]  }
0x29: {  	s4 =	sld [smem:$0x3FB1]  }
0x2a: {  	p0 =	seq.s32 s5, $0x0;
	s5 =	sld [smem:$0x3FB2]  }
0x2b: {  	s6 =	sld [smem:$0x3FB3]  }
0x2c: {  	s7 =	sld [smem:$0x3FB4]  }
0x2d: {  	s3 =	simm.s32 $0x108;
	s8 =	sld [smem:$0x3FB5]  }
0x2e: {  	s3 =	simm.s32 @!p0 $0x1082;
	s9 =	sld [smem:$0x3FB6]  }
0x2f: {  	lr =	sadd.s32 s0, s3;
	s0 =	sld [smem:$0x3FAD]  }
0x30: {  	s3 =	sld [smem:$0x3FB0]  }
0x31: {  	[smem:$0x3FB9] =	sst s10  }
0x32: {  	s10 =	sld [smem:$0x3FB7];
	_ =	sdelay $0x3  }
0x33: {  	p0 =	seq.s32 s10, $0x1;
	s10 =	sld [smem:$0x3FB9];
	_ =	sdelay $0x3  }
0x34: {  	[smem:$0x3FB9] =	sst s10  }
0x35: {  	s10 =	sld [smem:$0x3FB8];
	_ =	sdelay $0x3  }
0x36: {  	p1 =	seq.s32 s10, $0x1;
	s10 =	sld [smem:$0x3FB9];
	_ =	sdelay $0x3  }
0x37: {  	[smem:$0x3FB9] =	sst s10  }
0x38: {  	s10 =	sld [smem:$0x3FBA]  }
0x39: {  	_ = 	snop;
	(pc) =	sbr.ind lr, $3  }
0x3a: {  	_ = 	snop  }
0x3b: {  	_ = 	snop  }
0x3c: {  	p2 =	seq.s32 s10, $0x1;
	s10 =	sld [smem:$0x3FB9]  }
0x3d: {  	_ =	shalt  }
0x3e: {  	_ =	shalt  }
0x3f: {  	_ =	shalt  }
0x40: {  	_ =	shalt  }
0x41: {  	_ =	shalt  }
0x42: {  	_ =	shalt  }
0x43: {  	_ =	shalt  }
0x44: {  	_ =	shalt  }
0x45: {  	_ =	shalt  }
0x46: {  	_ =	shalt  }
0x47: {  	_ =	shalt  }
0x48: {  	_ =	shalt  }
0x49: {  	_ =	shalt  }
0x4a: {  	_ =	shalt  }
0x4b: {  	_ =	shalt  }
0x4c: {  	_ =	shalt  }
0x4d: {  	_ =	shalt  }
0x4e: {  	_ =	shalt  }
0x4f: {  	_ =	shalt  }
0x50: {  	_ =	shalt  }
0x51: {  	_ =	shalt  }
0x52: {  	_ =	shalt  }
0x53: {  	_ =	shalt  }
0x54: {  	_ =	shalt  }
0x55: {  	_ =	shalt  }
0x56: {  	_ =	shalt  }
0x57: {  	_ =	shalt  }
0x58: {  	_ =	shalt  }
0x59: {  	_ =	shalt  }
0x5a: {  	_ =	shalt  }
0x5b: {  	_ =	shalt  }
0x5c: {  	_ =	shalt  }
0x5d: {  	_ =	shalt  }
0x5e: {  	_ =	shalt  }
0x5f: {  	_ =	shalt  }
0x60: {  	_ =	shalt  }
0x61: {  	_ =	shalt  }
0x62: {  	_ =	shalt  }
0x63: {  	_ =	shalt  }
0x64: {  	_ =	shalt  }
0x65: {  	_ =	shalt  }
0x66: {  	_ =	shalt  }
0x67: {  	_ =	shalt  }
0x68: {  	_ =	shalt  }
0x69: {  	_ =	shalt  }
0x6a: {  	_ =	shalt  }
0x6b: {  	_ =	shalt  }
0x6c: {  	_ =	shalt  }
0x6d: {  	_ =	shalt  }
0x6e: {  	_ =	shalt  }
0x6f: {  	_ =	shalt  }
0x70: {  	_ =	shalt  }
0x71: {  	_ =	shalt  }
0x72: {  	_ =	shalt  }
0x73: {  	_ =	shalt  }
0x74: {  	_ =	shalt  }
0x75: {  	_ =	shalt  }
0x76: {  	_ =	shalt  }
0x77: {  	_ =	shalt  }
0x78: {  	_ =	shalt  }
0x79: {  	_ =	shalt  }
0x7a: {  	_ =	shalt  }
0x7b: {  	_ =	shalt  }
0x7c: {  	_ =	shalt  }
0x7d: {  	_ =	shalt  }
0x7e: {  	_ =	shalt  }
0x7f: {  	_ =	shalt  }
0x80: {  	_ =	shalt  }
0x81: {  	_ =	shalt  }
0x82: {  	_ =	shalt  }
0x83: {  	_ =	shalt  }
0x84: {  	_ =	shalt  }
0x85: {  	_ =	shalt  }
0x86: {  	_ =	shalt  }
0x87: {  	_ =	shalt  }
.Lfunc_end0:
.L_simem_size_0:
called_computation_lowered:
.L_overlay_start_0:
0x88: {  	s2 =	sld [smem:$0x3FD9]  }
0x89: {  	s3 =	sld [smem:$0x3FFE];
	_ =	sdelay $0x1  }
0x8a: {  	s1 =	srdreg.scid  }
0x8b: {  	s0 =	sand.u32 $0x1, s1  }
0x8c: {  	s15 =	sshll.u32 s0, $0xA;
	s2 =	sadd.s32 s3, s2  }
0x8d: {  	s2 =	sadd.s32 s2, s15  }
0x8e: {  	[smem:$0x3FC5] =	sst s2  }
0x8f: {  	_ = 	snop  }
0x90: {  	s2 =	sld [smem:$0x3FD0]  }
0x91: {  	s16 =	sld [smem:$0x3FC9]  }
0x92: {  	s4 =	sld [smem:$0x3FC8]  }
0x93: {  	s6 =	simm.s32 $0xA;
	s7 =	simm.s32 $0x10;
	s5 =	sld [smem:$0x3FC7]  }
0x94: {  	[smem:s7], [sflag:s6] =	dma.local [hbm:s2], $0x1  }
0x95: {  	_ =	swait.eq [sflag:s6], $0x1  }
0x96: {  	[sflag:s6] =	ssyncset.done $0x0  }
0x97: {  	s17 =	sld [smem:$0x10];
	[sflag:s6] =	ssyncadd.s32 $0xFFFFFFFF  }
0x98: {  	s18 =	sld [smem:$0x11];
	(tm) =	ssettm $0x1  }
0x99: {  	s19 =	sld [smem:$0x3FFB];
	_ =	sdelay $0x3  }
0x9a: {  	_ =	strace s19  }
0x9b: {  	s7 =	sld [smem:$0x3FFC];
	_ =	sdelay $0x3  }
0x9c: {  	_ =	strace s7  }
0x9d: {  	s7 =	sld [smem:$0x3FFD];
	_ =	sdelay $0x3  }
0x9e: {  	_ =	strace s7  }
0x9f: {  	_ =	strace $0x8FFFFFFF  }
0xa0: {  	s20 =	sld [smem:$0x3FDB];
	_ =	sdelay $0x1  }
0xa1: {  	s8 =	simm.s32 $_scs_section_size  }
0xa2: {  	s9 =	simm.s32 $_size__tile_overlayer_lowered;
	s10 =	simm.s32 $_tile_overlayer_lowered  }
0xa3: {  	s23 =	simm.s32 $0x1BFF;
	s22 =	sshll.u32 s10, $0x1;
	s7 =	sadd.s32 s8, s20  }
0xa4: {  	s11 =	simm.s32 $0x0;
	s21 =	sshll.u32 s9, $0x1;
	s9 =	sadd.s32 s22, s7  }
0xa5: {  	[timem:s11], [sflag:s23] =	dma.local [hbm:s9], s21  }
0xa6: {  	_ =	swait.ge [sflag:s23], s21  }
0xa7: {  	s8 =	ssub.s32 $0x0, s21;
	[sflag:s23] =	ssyncset.done $0x0  }
0xa8: {  	[sflag:s23] =	ssyncadd.s32 s8;
	_ =	sdelay $0x1  }
0xa9: {  	s24 =	simm.s32 $0x1B8B  }
0xaa: {  	_ =	swait.ge [sflag:s24], $0x1  }
0xab: {  	[sflag:s24] =	ssyncset.done $0x0  }
0xac: {  	s25 =	simm.s32 $0x1B8E;
	[sflag:s24] =	ssyncadd.s32 $0xFFFFFFFF  }
0xad: {  	s26 =	simm.s32 $execute0_lowered;
	[smem:$0x3FD2] =	sst s25  }
0xae: {  	s8 =	sshll.u32 s26, $0x1;
	_ =	strace $0x80000046;
	[dreg:$0x1] =	wrdreg $0xFFFFFFFF  }
0xaf: {  	s28 =	simm.s32 $_size_execute0_lowered;
	s7 =	sadd.s32 s7, s8;
	[dreg:$0x0] =	wrdreg $0x0  }
0xb0: {  	s8 =	sshll.u32 s28, $0x1;
	[dreg:$0x2] =	wrdreg s7  }
0xb1: {  	[dreg:$0x3] =	wrdreg s8  }
0xb2: {  	[dreg:$0x4] =	wrdreg $0xC0  }
0xb3: {  	_ =	task [dreg:s11], $0x5FFFF  }
0xb4: {  	[dreg:$0x1] =	wrdreg $0xFFFFFFFF  }
0xb5: {  	[dreg:$0x0] =	wrdreg $0x60  }
0xb6: {  	[dreg:$0x2] =	wrdreg s16  }
0xb7: {  	[dreg:$0x3] =	wrdreg s4  }
0xb8: {  	[dreg:$0x4] =	wrdreg s5  }
0xb9: {  	[dreg:$0x5] =	wrdreg s17  }
0xba: {  	[dreg:$0x6] =	wrdreg s18  }
0xbb: {  	[dreg:$0x7] =	wrdreg $0x9  }
0xbc: {  	_ =	task.clear_ibuf [dreg:s11], $0x8FFFF;
	_ =	strace $0x90000046  }
0xbd: {  	s29 =	simm.s32 $0x9;
	_ =	strace $0x80000048  }
0xbe: {  	_ =	swait.ge [sflag:s29], $0x1  }
0xbf: {  	[sflag:s29] =	ssyncadd.s32 $0xFFFFFFFF  }
0xc0: {  	_ =	strace $0x90000048  }
0xc1: {  	_ =	sfence  }
0xc2: {  	s30 =	sld [smem:$0x0];
	_ =	sdelay $0x2  }
0xc3: {  	s31 =	sshll.u32 s1, $0xD;
	s1 =	sshrl.u32 s1, $0x2  }
0xc4: {  	s3 =	sand.u32 $0x4000, s31;
	s1 =	sadd.s32 s1, s30  }
0xc5: {  	s0 =	sor.u32 s3, s0;
	s1 =	sshll.u32 s1, $0x11  }
0xc6: {  	s0 =	sor.u32 s1, s0  }
0xc7: {  	s0 =	sadd.s32 $0x8F2B, s0  }
0xc8: {  	[sflag:s0] =	ssyncadd.remote.s32 $0x1  }
0xc9: {  	_ =	sfence.sel $0xFFFF  }
0xca: {  	[dreg:$0x0] =	wrdreg $0xFFFFFFFF;
	(pc) =	sbr.abs _section_cstart, $3  }
0xcb: {  	[dreg:$0x1] =	wrdreg $0xFFFFFFFF  }
0xcc: {  	_ =	task.clear_ibuf [dreg:s11], $0x2FFFF;
	_ =	strace $0x9FFFFFFF  }
0xcd: {  	(tm) =	ssettm $0x7FFFFFFF  }
tec
execute0_lowered:
.L_overlay_start_1:
0x0: {  	(tag) =	ssettag $0x1  }
0x1: {  	s5 =	rddreg [dreg:$0x0]  }
0x2: {  	s1 =	rddreg [dreg:$0x1]  }
0x3: {  	s3 =	rddreg [dreg:$0x2]  }
0x4: {  	s24 =	rddreg [dreg:$0x3];
	s0 =	srdreg.scid  }
0x5: {  	s30 =	rddreg [dreg:$0x4];
	s2 =	stileid.u32;
	s0 =	sand.u32 $0x1, s0  }
0x6: {  	s4 =	simm.s32 $0x0;
	s6 =	sshll.u32 s2, $0x7;
	s7 =	sshll.u32 s0, $0x6  }
0x7: {  	s21 =	sshll.u32 s2, $0xE;
	s8 =	sshll.u32 s0, $0xD;
	s5 =	sadd.s32 s5, s7  }
0x8: {  	[smem:$0x7FF] =	sst s4;
	s25 =	sor.u32 s8, s21;
	s5 =	sadd.s32 s6, s5  }
0x9: {  	_ =	strace $0x80000047;
	s28 =	sor.u32 $0x800, s25;
	[dreg:$0x6] =	wrdreg s5  }
0xa: {  	s5 =	sadd.s32 s24, s25;
	s26 =	sadd.s32 s24, s28;
	s23 =	rddreg [dreg:$0x6]  }
0xb: {  	s22 =	sadd.s32 $0x400, s5;
	[dreg:$0x8] =	wrdreg s26  }
0xc: {  	s6 =	simm.s32 $0x9;
	[dreg:$0x7] =	wrdreg s22  }
0xd: {  	[tilespmem:s4], [sflag:$0x9] =	stream.linear.gather [hbm4b:s23+s4], $0x200, $0x38;
	[tilespmem:$0x10200] =	vst v63  }
0xe: {  	_ =	swait.ge [sflag:s6], $0x200  }
0xf: {  	[sflag:s6] =	ssyncset.done $0x0  }
0x10: {  	s7 =	simm.s32 $0x40;
	s8 =	simm.s32 $0x200;
	[sflag:s6] =	ssyncadd.s32 $0xFFFFFE00  }
0x11: {  	[tilespmem:s8], [sflag:$0x1] =	stream.indirect.gather [hbm4b:s1+s7], $0x80, s4, s7, $0xb8;
	[tilespmem:$0x10200] =	vst v63  }
0x12: {  	s9 =	simm.s32 $0x4200  }
0x13: {  	[tilespmem:s9], [sflag:$0x2] =	stream.indirect.gather [hbm4b:s1+s7], $0x80, s7, s7, $0xb8;
	[tilespmem:$0x10200] =	vst v63  }
0x14: {  	s10 =	simm.s32 $0x80;
	s11 =	simm.s32 $0x8200  }
0x15: {  	[tilespmem:s11], [sflag:$0x3] =	stream.indirect.gather [hbm4b:s1+s10], $0x80, s10, s10, $0xb8;
	[tilespmem:$0x10200] =	vst v63  }
0x16: {  	s12 =	simm.s32 $0x100;
	s13 =	simm.s32 $0xC200;
	s14 =	simm.s32 $0x1  }
0x17: {  	[tilespmem:s13], [sflag:$0x4] =	stream.indirect.gather [hbm4b:s1+s10], $0x80, s12, s10, $0xb8;
	[tilespmem:$0x10200] =	vst v63  }
0x18: {  	_ =	swait.ge [sflag:s14], $0x2000  }
0x19: {  	[sflag:s14] =	ssyncset.done $0x0  }
0x1a: {  	s15 =	simm.s32 $0x5;
	[sflag:s14] =	ssyncadd.s32 $0xFFFFE000  }
0x1b: {  	[hbm4b:s5+s4] =	stream.linear.scatter [tilespmem:s8], [sflag:$0x5], $0x2000, $0x38;
	[tilespmem:$0x10200] =	vst v63  }
0x1c: {  	_ =	swait.ge [sflag:s15], $0x2000  }
0x1d: {  	[sflag:s15] =	ssyncset.done $0x0  }
0x1e: {  	s16 =	simm.s32 $0x180;
	s17 =	simm.s32 $0x2;
	[sflag:s15] =	ssyncadd.s32 $0xFFFFE000  }
0x1f: {  	[tilespmem:s8], [sflag:$0x1] =	stream.indirect.gather [hbm4b:s1+s10], $0x80, s16, s10, $0xb8;
	[tilespmem:$0x10200] =	vst v63  }
0x20: {  	_ =	swait.ge [sflag:s17], $0x2000  }
0x21: {  	[sflag:s17] =	ssyncset.done $0x0  }
0x22: {  	s18 =	simm.s32 $0x6;
	s19 =	rddreg [dreg:$0x7];
	[sflag:s17] =	ssyncadd.s32 $0xFFFFE000  }
0x23: {  	[hbm4b:s19+s4] =	stream.linear.scatter [tilespmem:s9], [sflag:$0x6], $0x2000, $0x38;
	[tilespmem:$0x10200] =	vst v63  }
0x24: {  	_ =	swait.ge [sflag:s18], $0x2000  }
0x25: {  	[sflag:s18] =	ssyncset.done $0x0  }
0x26: {  	s19 =	simm.s32 $0x3;
	[sflag:s18] =	ssyncadd.s32 $0xFFFFE000  }
0x27: {  	[tilespmem:s9], [sflag:$0x2] =	stream.indirect.gather [hbm4b:s3+s10], $0x80, s4, s10, $0xb8;
	[tilespmem:$0x10200] =	vst v63  }
0x28: {  	_ =	swait.ge [sflag:s19], $0x4000  }
0x29: {  	[sflag:s19] =	ssyncset.done $0x0  }
0x2a: {  	s20 =	rddreg [dreg:$0x8];
	[sflag:s19] =	ssyncadd.s32 $0xFFFFC000  }
0x2b: {  	[hbm4b:s20+s4] =	stream.linear.scatter [tilespmem:s11], [sflag:$0x7], $0x4000, $0x38;
	[tilespmem:$0x10200] =	vst v63  }
0x2c: {  	s20 =	simm.s32 $0x7  }
0x2d: {  	_ =	swait.ge [sflag:s20], $0x4000  }
0x2e: {  	[sflag:s20] =	ssyncset.done $0x0  }
0x2f: {  	s21 =	simm.s32 $0x4;
	[sflag:s20] =	ssyncadd.s32 $0xFFFFC000  }
0x30: {  	[tilespmem:s11], [sflag:$0x3] =	stream.indirect.gather [hbm4b:s3+s10], $0x80, s10, s10, $0xb8;
	[tilespmem:$0x10200] =	vst v63  }
0x31: {  	_ =	swait.ge [sflag:s21], $0x4000  }
0x32: {  	s29 =	sor.u32 $0x1000, s25;
	[sflag:s21] =	ssyncset.done $0x0  }
0x33: {  	s23 =	sadd.s32 s24, s29;
	s22 =	simm.s32 $0x8;
	[sflag:s21] =	ssyncadd.s32 $0xFFFFC000  }
0x34: {  	[hbm4b:s23+s4] =	stream.linear.scatter [tilespmem:s13], [sflag:$0x8], $0x4000, $0x38;
	[tilespmem:$0x10200] =	vst v63  }
0x35: {  	_ =	swait.ge [sflag:s22], $0x4000  }
0x36: {  	[sflag:s22] =	ssyncset.done $0x0  }
0x37: {  	[sflag:s22] =	ssyncadd.s32 $0xFFFFC000  }
0x38: {  	[tilespmem:s13], [sflag:$0x4] =	stream.indirect.gather [hbm4b:s3+s10], $0x80, s12, s10, $0xb8;
	[tilespmem:$0x10200] =	vst v63  }
0x39: {  	_ =	swait.ge [sflag:s14], $0x4000  }
0x3a: {  	s31 =	sor.u32 $0x1800, s25;
	[sflag:s14] =	ssyncset.done $0x0  }
0x3b: {  	s24 =	sadd.s32 s24, s31;
	[sflag:s14] =	ssyncadd.s32 $0xFFFFC000  }
0x3c: {  	[hbm4b:s24+s4] =	stream.linear.scatter [tilespmem:s8], [sflag:$0x5], $0x4000, $0x38;
	[tilespmem:$0x10200] =	vst v63  }
0x3d: {  	_ =	swait.ge [sflag:s15], $0x4000  }
0x3e: {  	[sflag:s15] =	ssyncset.done $0x0  }
0x3f: {  	[sflag:s15] =	ssyncadd.s32 $0xFFFFC000  }
0x40: {  	[tilespmem:s8], [sflag:$0x1] =	stream.indirect.gather [hbm4b:s3+s7], $0x80, s16, s7, $0xb8;
	[tilespmem:$0x10200] =	vst v63  }
0x41: {  	_ =	swait.ge [sflag:s17], $0x4000  }
0x42: {  	[sflag:s17] =	ssyncset.done $0x0  }
0x43: {  	s25 =	sadd.s32 s30, s25;
	[sflag:s17] =	ssyncadd.s32 $0xFFFFC000  }
0x44: {  	[hbm4b:s25+s4] =	stream.linear.scatter [tilespmem:s9], [sflag:$0x6], $0x4000, $0x38;
	[tilespmem:$0x10200] =	vst v63  }
0x45: {  	_ =	swait.ge [sflag:s18], $0x4000  }
0x46: {  	[sflag:s18] =	ssyncset.done $0x0  }
0x47: {  	s26 =	simm.s32 $0x1C0;
	[sflag:s18] =	ssyncadd.s32 $0xFFFFC000  }
0x48: {  	[tilespmem:s9], [sflag:$0x2] =	stream.indirect.gather [hbm4b:s3+s7], $0x80, s26, s7, $0xb8;
	[tilespmem:$0x10200] =	vst v63  }
0x49: {  	_ =	swait.ge [sflag:s19], $0x4000  }
0x4a: {  	[sflag:s19] =	ssyncset.done $0x0  }
0x4b: {  	s28 =	sadd.s32 s30, s28;
	[sflag:s19] =	ssyncadd.s32 $0xFFFFC000  }
0x4c: {  	[hbm4b:s28+s4] =	stream.linear.scatter [tilespmem:s11], [sflag:$0x7], $0x4000, $0x38;
	[tilespmem:$0x10200] =	vst v63  }
0x4d: {  	_ =	swait.ge [sflag:s21], $0x4000  }
0x4e: {  	[sflag:s21] =	ssyncset.done $0x0  }
0x4f: {  	s29 =	sadd.s32 s30, s29;
	[sflag:s21] =	ssyncadd.s32 $0xFFFFC000  }
0x50: {  	[hbm4b:s29+s4] =	stream.linear.scatter [tilespmem:s13], [sflag:$0x8], $0x4000, $0x38;
	[tilespmem:$0x10200] =	vst v63  }
0x51: {  	_ =	swait.ge [sflag:s14], $0x2000  }
0x52: {  	[sflag:s14] =	ssyncset.done $0x0  }
0x53: {  	s30 =	sadd.s32 s30, s31;
	[sflag:s14] =	ssyncadd.s32 $0xFFFFE000  }
0x54: {  	[hbm4b:s30+s4] =	stream.linear.scatter [tilespmem:s8], [sflag:$0x5], $0x2000, $0x38;
	[tilespmem:$0x10200] =	vst v63  }
0x55: {  	_ =	swait.ge [sflag:s17], $0x2000  }
0x56: {  	[sflag:s17] =	ssyncset.done $0x0  }
0x57: {  	s31 =	sadd.s32 $0x1C00, s25;
	[sflag:s17] =	ssyncadd.s32 $0xFFFFE000  }
0x58: {  	[hbm4b:s31+s4] =	stream.linear.scatter [tilespmem:s9], [sflag:$0x6], $0x2000, $0x38;
	[tilespmem:$0x10200] =	vst v63  }
0x59: {  	s0 =	ssub.s32 $0x2, s0;
	_ =	swait.ge [sflag:s15], $0x2000  }
0x5a: {  	s2 =	sshrl.u32 s0, $0x1;
	[sflag:s15] =	ssyncset.done $0x0  }
0x5b: {  	s0 =	ssub.s32 s0, s2;
	[sflag:s15] =	ssyncadd.s32 $0xFFFFE000  }
0x5c: {  	s0 =	smax.u32 s0, $0x1;
	_ =	swait.ge [sflag:s18], $0x2000  }
0x5d: {  	p0 =	sne.s32 s0, $0x1;
	[sflag:s18] =	ssyncset.done $0x0  }
.Ltmp0:
0x5e: {  	[sflag:s18] =	ssyncadd.s32 $0xFFFFE000;
	(pc) =	sbr.rel @!p0 .LBB2_2-.Ltmp0, $4  }
0x5f: {  	_ =	swait.ge [sflag:s20], $0x4000  }
0x60: {  	[sflag:s20] =	ssyncset.done $0x0  }
0x61: {  	[sflag:s20] =	ssyncadd.s32 $0xFFFFC000  }
0x62: {  	s0 =	sadd.s32 $0xFFFFFFFF, s0;
	_ =	swait.ge [sflag:s22], $0x4000  }
.LBB2_1:
0x63: {  	[sflag:s22] =	ssyncset.done $0x0  }
0x64: {  	s2 =	rddreg [dreg:$0x6];
	[sflag:s22] =	ssyncadd.s32 $0xFFFFC000  }
0x65: {  	[tilespmem:s4], [sflag:$0x9] =	stream.linear.gather [hbm4b:s2+s4], $0x200, $0x38;
	[tilespmem:$0x10200] =	vst v63  }
0x66: {  	_ =	swait.ge [sflag:s6], $0x200  }
0x67: {  	[sflag:s6] =	ssyncset.done $0x0  }
0x68: {  	[sflag:s6] =	ssyncadd.s32 $0xFFFFFE00  }
0x69: {  	[tilespmem:s8], [sflag:$0x1] =	stream.indirect.gather [hbm4b:s1+s7], $0x80, s4, s7, $0xb8;
	[tilespmem:$0x10200] =	vst v63  }
0x6a: {  	_ = 	snop  }
0x6b: {  	[tilespmem:s9], [sflag:$0x2] =	stream.indirect.gather [hbm4b:s1+s7], $0x80, s7, s7, $0xb8;
	[tilespmem:$0x10200] =	vst v63  }
0x6c: {  	_ = 	snop  }
0x6d: {  	[tilespmem:s11], [sflag:$0x3] =	stream.indirect.gather [hbm4b:s1+s10], $0x80, s10, s10, $0xb8;
	[tilespmem:$0x10200] =	vst v63  }
0x6e: {  	_ = 	snop  }
0x6f: {  	[tilespmem:s13], [sflag:$0x4] =	stream.indirect.gather [hbm4b:s1+s10], $0x80, s12, s10, $0xb8;
	[tilespmem:$0x10200] =	vst v63  }
0x70: {  	_ =	swait.ge [sflag:s14], $0x2000  }
0x71: {  	[sflag:s14] =	ssyncset.done $0x0  }
0x72: {  	[sflag:s14] =	ssyncadd.s32 $0xFFFFE000  }
0x73: {  	[hbm4b:s5+s4] =	stream.linear.scatter [tilespmem:s8], [sflag:$0x5], $0x2000, $0x38;
	[tilespmem:$0x10200] =	vst v63  }
0x74: {  	_ =	swait.ge [sflag:s15], $0x2000  }
0x75: {  	[sflag:s15] =	ssyncset.done $0x0  }
0x76: {  	[sflag:s15] =	ssyncadd.s32 $0xFFFFE000  }
0x77: {  	[tilespmem:s8], [sflag:$0x1] =	stream.indirect.gather [hbm4b:s1+s10], $0x80, s16, s10, $0xb8;
	[tilespmem:$0x10200] =	vst v63  }
0x78: {  	_ =	swait.ge [sflag:s17], $0x2000  }
0x79: {  	[sflag:s17] =	ssyncset.done $0x0  }
0x7a: {  	s2 =	rddreg [dreg:$0x7];
	[sflag:s17] =	ssyncadd.s32 $0xFFFFE000  }
0x7b: {  	[hbm4b:s2+s4] =	stream.linear.scatter [tilespmem:s9], [sflag:$0x6], $0x2000, $0x38;
	[tilespmem:$0x10200] =	vst v63  }
0x7c: {  	_ =	swait.ge [sflag:s18], $0x2000  }
0x7d: {  	[sflag:s18] =	ssyncset.done $0x0  }
0x7e: {  	[sflag:s18] =	ssyncadd.s32 $0xFFFFE000  }
0x7f: {  	[tilespmem:s9], [sflag:$0x2] =	stream.indirect.gather [hbm4b:s3+s10], $0x80, s4, s10, $0xb8;
	[tilespmem:$0x10200] =	vst v63  }
0x80: {  	_ =	swait.ge [sflag:s19], $0x4000  }
0x81: {  	[sflag:s19] =	ssyncset.done $0x0  }
0x82: {  	s2 =	rddreg [dreg:$0x8];
	[sflag:s19] =	ssyncadd.s32 $0xFFFFC000  }
0x83: {  	[hbm4b:s2+s4] =	stream.linear.scatter [tilespmem:s11], [sflag:$0x7], $0x4000, $0x38;
	[tilespmem:$0x10200] =	vst v63  }
0x84: {  	_ =	swait.ge [sflag:s20], $0x4000  }
0x85: {  	[sflag:s20] =	ssyncset.done $0x0  }
0x86: {  	[sflag:s20] =	ssyncadd.s32 $0xFFFFC000  }
0x87: {  	[tilespmem:s11], [sflag:$0x3] =	stream.indirect.gather [hbm4b:s3+s10], $0x80, s10, s10, $0xb8;
	[tilespmem:$0x10200] =	vst v63  }
0x88: {  	_ =	swait.ge [sflag:s21], $0x4000  }
0x89: {  	[sflag:s21] =	ssyncset.done $0x0  }
0x8a: {  	[sflag:s21] =	ssyncadd.s32 $0xFFFFC000  }
0x8b: {  	[hbm4b:s23+s4] =	stream.linear.scatter [tilespmem:s13], [sflag:$0x8], $0x4000, $0x38;
	[tilespmem:$0x10200] =	vst v63  }
0x8c: {  	_ =	swait.ge [sflag:s22], $0x4000  }
0x8d: {  	[sflag:s22] =	ssyncset.done $0x0  }
0x8e: {  	[sflag:s22] =	ssyncadd.s32 $0xFFFFC000  }
0x8f: {  	[tilespmem:s13], [sflag:$0x4] =	stream.indirect.gather [hbm4b:s3+s10], $0x80, s12, s10, $0xb8;
	[tilespmem:$0x10200] =	vst v63  }
0x90: {  	_ =	swait.ge [sflag:s14], $0x4000  }
0x91: {  	[sflag:s14] =	ssyncset.done $0x0  }
0x92: {  	[sflag:s14] =	ssyncadd.s32 $0xFFFFC000  }
0x93: {  	[hbm4b:s24+s4] =	stream.linear.scatter [tilespmem:s8], [sflag:$0x5], $0x4000, $0x38;
	[tilespmem:$0x10200] =	vst v63  }
0x94: {  	_ =	swait.ge [sflag:s15], $0x4000  }
0x95: {  	[sflag:s15] =	ssyncset.done $0x0  }
0x96: {  	[sflag:s15] =	ssyncadd.s32 $0xFFFFC000  }
0x97: {  	[tilespmem:s8], [sflag:$0x1] =	stream.indirect.gather [hbm4b:s3+s7], $0x80, s16, s7, $0xb8;
	[tilespmem:$0x10200] =	vst v63  }
0x98: {  	_ =	swait.ge [sflag:s17], $0x4000  }
0x99: {  	[sflag:s17] =	ssyncset.done $0x0  }
0x9a: {  	[sflag:s17] =	ssyncadd.s32 $0xFFFFC000  }
0x9b: {  	[hbm4b:s25+s4] =	stream.linear.scatter [tilespmem:s9], [sflag:$0x6], $0x4000, $0x38;
	[tilespmem:$0x10200] =	vst v63  }
0x9c: {  	_ =	swait.ge [sflag:s18], $0x4000  }
0x9d: {  	[sflag:s18] =	ssyncset.done $0x0  }
0x9e: {  	[sflag:s18] =	ssyncadd.s32 $0xFFFFC000  }
0x9f: {  	[tilespmem:s9], [sflag:$0x2] =	stream.indirect.gather [hbm4b:s3+s7], $0x80, s26, s7, $0xb8;
	[tilespmem:$0x10200] =	vst v63  }
0xa0: {  	_ =	swait.ge [sflag:s19], $0x4000  }
0xa1: {  	[sflag:s19] =	ssyncset.done $0x0  }
0xa2: {  	[sflag:s19] =	ssyncadd.s32 $0xFFFFC000  }
0xa3: {  	[hbm4b:s28+s4] =	stream.linear.scatter [tilespmem:s11], [sflag:$0x7], $0x4000, $0x38;
	[tilespmem:$0x10200] =	vst v63  }
0xa4: {  	_ =	swait.ge [sflag:s21], $0x4000  }
0xa5: {  	[sflag:s21] =	ssyncset.done $0x0  }
0xa6: {  	[sflag:s21] =	ssyncadd.s32 $0xFFFFC000  }
0xa7: {  	[hbm4b:s29+s4] =	stream.linear.scatter [tilespmem:s13], [sflag:$0x8], $0x4000, $0x38;
	[tilespmem:$0x10200] =	vst v63  }
0xa8: {  	_ =	swait.ge [sflag:s14], $0x2000  }
0xa9: {  	[sflag:s14] =	ssyncset.done $0x0  }
0xaa: {  	[sflag:s14] =	ssyncadd.s32 $0xFFFFE000  }
0xab: {  	[hbm4b:s30+s4] =	stream.linear.scatter [tilespmem:s8], [sflag:$0x5], $0x2000, $0x38;
	[tilespmem:$0x10200] =	vst v63  }
0xac: {  	_ =	swait.ge [sflag:s17], $0x2000  }
0xad: {  	[sflag:s17] =	ssyncset.done $0x0  }
0xae: {  	[sflag:s17] =	ssyncadd.s32 $0xFFFFE000  }
0xaf: {  	[hbm4b:s31+s4] =	stream.linear.scatter [tilespmem:s9], [sflag:$0x6], $0x2000, $0x38;
	[tilespmem:$0x10200] =	vst v63  }
0xb0: {  	_ =	swait.ge [sflag:s15], $0x2000  }
0xb1: {  	[sflag:s15] =	ssyncset.done $0x0  }
0xb2: {  	[sflag:s15] =	ssyncadd.s32 $0xFFFFE000  }
0xb3: {  	_ =	swait.ge [sflag:s18], $0x2000  }
0xb4: {  	p0 =	sne.s32 s0, $0x1;
	[sflag:s18] =	ssyncset.done $0x0  }
.Ltmp1:
0xb5: {  	[sflag:s18] =	ssyncadd.s32 $0xFFFFE000;
	(pc) =	sbr.rel @p0 .LBB2_1-.Ltmp1, $4  }
0xb6: {  	_ =	swait.ge [sflag:s20], $0x4000  }
0xb7: {  	[sflag:s20] =	ssyncset.done $0x0  }
0xb8: {  	[sflag:s20] =	ssyncadd.s32 $0xFFFFC000  }
0xb9: {  	s0 =	sadd.s32 $0xFFFFFFFF, s0;
	_ =	swait.ge [sflag:s22], $0x4000  }
.LBB2_2:
0xba: {  	[sflag:s22] =	ssyncset.done $0x0  }
0xbb: {  	[sflag:s22] =	ssyncadd.s32 $0xFFFFC000  }
0xbc: {  	_ =	sfence.sel $0x180000  }
0xbd: {  	[bflag:$0x0] =	sbarrier.arrive $0xFFFF  }
0xbe: {  	_ =	strace $0x90000047  }
0xbf: {  	s0 =	stileid.u32;
	[bflag:$0x2] =	sbarrier.arrive $0xFFFF  }
0xc0: {  	p0 =	sne.s32 s0, $0x0;
	s0 =	rddreg [dreg:$0x5]  }
0xc1: {  	s0 =	sadd.s32 @!p0 $0x100000, s0  }
0xc2: {  	[sflag:s0] =	ssyncadd.tile.s32 @!p0 $0x1;
	_ =	shalt  }
.Lfunc_end2:
_tile_overlayer_lowered:
.L_overlay_start_2:
0xc3: {  	(tag) =	ssettag $0x2  }
0xc4: {  	s0 =	rddreg [dreg:$0x0];
	s2 =	stileid.u32  }
0xc5: {  	s1 =	rddreg [dreg:$0x1];
	p0 =	sne.s32 s2, $0x0  }
0xc6: {  	s3 =	rddreg [dreg:$0x2];
	[bflag:$0x3] =	sbarrier.arrive $0xFFFF;
	s2 =	simm.s32 @!p0 $0x1C09  }
0xc7: {  	[timem:s3], [sflag:s2] =	dma.local @!p0 [hbm:s0], s1  }
0xc8: {  	s0 =	simm.s32 @!p0 $0x9  }
0xc9: {  	_ =	swait.ge @!p0 [sflag:s0], s1  }
0xca: {  	s1 =	ssub.s32 @!p0 $0x0, s1;
	[sflag:s0] =	ssyncset.done @!p0 $0x0  }
0xcb: {  	[sflag:s0] =	ssyncadd.s32 @!p0 s1  }
0xcc: {  	[bflag:$0x3] =	sbarrier.arrive $0xFFFF  }
0xcd: {  	_ =	shalt  }

</sc_bundles>
